<compile_context>
chip_gen: v7x
topology: tpu7x:2x2x1
jax: 0.10.2.dev20260603
libtpu: 0.0.44.dev20260713+nightly
codegen_flags: <defaults>
</compile_context>

<pallas_src>
import functools

import jax
import jax.numpy as jnp
from jax import lax
from jax.experimental import pallas as pl
from jax.experimental.pallas import tpu as pltpu
from jax.experimental.pallas import tpu_sc as plsc


def _embed_lookup(ids, tok_embed, pos_embed):
    batch, seq_len = ids.shape
    B = batch * seq_len
    _, d = tok_embed.shape
    info = plsc.get_sparse_core_info()
    num_workers = info.num_cores * info.num_subcores
    s_per_w = seq_len // num_workers
    ch = s_per_w // 2
    nch = batch * 2
    mesh = plsc.VectorSubcoreMesh(core_axis_name="c", subcore_axis_name="s")

    @functools.partial(
        pl.kernel,
        mesh=mesh,
        out_type=jax.ShapeDtypeStruct((B, d), jnp.float32),
        scratch_types=[
            pltpu.VMEM((batch, s_per_w), jnp.int32),
            pltpu.VMEM((nch, ch, d), jnp.float32),
            pltpu.VMEM((s_per_w, d), jnp.float32),
            pltpu.SemaphoreType.DMA((nch + 2,)),
        ],
    )
    def _emb(ids_hbm, tok_hbm, pos_hbm, out_hbm, idx_v, tok_v, pos_v, sem):
        wid = lax.axis_index("s") * info.num_cores + lax.axis_index("c")
        sbase = pl.multiple_of(wid * s_per_w, s_per_w)

        idx_copies = [
            pltpu.async_copy(ids_hbm.at[b, pl.ds(sbase, s_per_w)],
                             idx_v.at[b], sem.at[b])
            for b in range(batch)
        ]
        pos_copy = pltpu.async_copy(
            pos_hbm.at[pl.ds(sbase, s_per_w)], pos_v, sem.at[nch + 1])
        for c in idx_copies:
            c.wait()

        def gather(c):
            b = c // 2
            h = c - 2 * b
            return pltpu.make_async_copy(
                tok_hbm.at[idx_v.at[b, pl.ds(h * ch, ch)]],
                tok_v.at[c], sem.at[c])

        def store(c):
            b = c // 2
            h = c - 2 * b
            return pltpu.make_async_copy(
                tok_v.at[c],
                out_hbm.at[pl.ds(b * seq_len + sbase + h * ch, ch)],
                sem.at[c])

        lax.fori_loop(0, nch, lambda c, x: (gather(c).start(), x)[1], 0)
        pos_copy.wait()

        def consume(c, _):
            gather(c).wait()
            h = c - 2 * (c // 2)

            @plsc.parallel_loop(0, ch, unroll=4)
            def _row(i):
                for j in range(d // 16):
                    sl = pl.ds(j * 16, 16)
                    plsc.addupdate(tok_v.at[c, i, sl], pos_v[h * ch + i, sl])

            store(c).start()
            return _

        lax.fori_loop(0, nch, consume, 0)

        lax.fori_loop(0, nch, lambda c, x: (store(c).wait(), x)[1], 0)

    return _emb(ids, tok_embed, pos_embed)


def kernel(ids, tok_embed, pos_embed):
    batch, seq_len = ids.shape
    _, d = tok_embed.shape
    out = _embed_lookup(ids.astype(jnp.int32), tok_embed, pos_embed)
    return out.reshape(batch, seq_len, d)

# --- scband reference (transcript-rebuilt; emitter-appended) ---
"""Pipeline reference for scband-transformer-embeddings-23639499997332 (READ-ONLY COPY).

The authoritative reference and input builder live on the scoring server;
editing this copy changes nothing except your own understanding.
"""

import jax, jax.numpy as jnp
import numpy as np

VOCAB_SIZE = 100000
EMBED_DIM = 128
MAX_SEQ_LEN = 2048
BATCH = 4
SEQ_LEN = 2048

def setup_inputs(seed: int = 0) -> dict:
    key = jax.random.key(seed)
    k_ids, k_tok, k_pos = jax.random.split(key, 3)
    ids = jax.random.randint(k_ids, (BATCH, SEQ_LEN), 0, VOCAB_SIZE, dtype=jnp.int64 if jax.config.read('jax_enable_x64') else jnp.int32)
    tok_embed = jax.random.normal(k_tok, (VOCAB_SIZE, EMBED_DIM), dtype=jnp.float32)
    pos_embed = jax.random.normal(k_pos, (MAX_SEQ_LEN, EMBED_DIM), dtype=jnp.float32)
    return {"ids": ids, "tok_embed": tok_embed, "pos_embed": pos_embed}

def reference(ids, tok_embed, pos_embed):
    assert ids.ndim == 2, 'Expected input ids to be of size (batches, sequence_len)'
    _, seq_len = ids.shape
    positions = jnp.arange(0, seq_len)
    pos = jnp.take(pos_embed, positions, axis=0)  # [seq_len, embed_dim]
    inputs = jnp.take(tok_embed, ids, axis=0)     # [batch, seq_len, embed_dim]
    inputs = inputs + pos[None, :, :]
    return inputs

if __name__ == "__main__":
    import jax
    _d = setup_inputs()
    print(jax.jit(kernel)(*tuple(_d.values())))

</pallas_src>

<mosaic_0001>
#map = affine_map<(d0, d1) -> (0, 0)>
module attributes {stable_mosaic.version = 14 : i64} {
  func.func @_emb(%arg0: i32, %arg1: i32, %arg2: memref<4x2048xi32, #tpu.memory_space<hbm>>, %arg3: memref<100000x128xf32, #tpu.memory_space<hbm>>, %arg4: memref<2048x128xf32, #tpu.memory_space<hbm>>, %arg5: memref<8192x128xf32, #tpu.memory_space<hbm>>, %arg6: memref<4x64xi32, #tpu.memory_space<vmem>>, %arg7: memref<8x32x128xf32, #tpu.memory_space<vmem>>, %arg8: memref<64x128xf32, #tpu.memory_space<vmem>>, %arg9: memref<10x!tpu.dma_semaphore, #tpu.memory_space<semaphore_mem>>) attributes {dimension_semantics = [#tpu.dimension_semantics<core_parallel>, #tpu.dimension_semantics<subcore_parallel>], iteration_bounds = array<i64: 2, 16>, scalar_prefetch = 0 : i64, scratch_operands = 4 : i64, tpu.core_type = #tpu.core_type<sc_vector_subcore>, window_params = [{transform_indices = #map}, {transform_indices = #map}, {transform_indices = #map}, {transform_indices = #map}]} {
    %mul3A = arith.constant 2 : i32
    %mul3A_0 = arith.muli %arg1, %mul3A : i32
    %add3A = arith.addi %mul3A_0, %arg0 : i32
    %mul3A_1 = arith.constant 64 : i32
    %mul3A_2 = arith.muli %add3A, %mul3A_1 : i32
    %multiple_of3A = tpu.assume_multiple %mul3A_2, 64 : i32
    %dma_start3A = arith.constant 0 : i32
    %dma_start3A_3 = arith.constant 0 : i32
    %dma_start3A_4 = arith.constant 0 : i32
    %dma_start3A_5 = arith.constant 0 : i32
    %dma_start3A_6 = tpu.memref_slice %arg6[%dma_start3A_3, %dma_start3A_5] : memref<4x64xi32, #tpu.memory_space<vmem>> -> memref<1x64xi32, #tpu.memory_space<vmem>>
    %dma_start3A_7 = tpu.memref_squeeze %dma_start3A_6 : memref<1x64xi32, #tpu.memory_space<vmem>> -> memref<64xi32, #tpu.memory_space<vmem>>
    %dma_start3A_8 = tpu.memref_slice %arg2[%dma_start3A, %multiple_of3A] : memref<4x2048xi32, #tpu.memory_space<hbm>> -> memref<1x64xi32, #tpu.memory_space<hbm>>
    %dma_start3A_9 = tpu.memref_squeeze %dma_start3A_8 : memref<1x64xi32, #tpu.memory_space<hbm>> -> memref<64xi32, #tpu.memory_space<hbm>>
    %dma_start3A_10 = tpu.memref_slice %arg9[%dma_start3A_4] : memref<10x!tpu.dma_semaphore, #tpu.memory_space<semaphore_mem>> -> memref<1x!tpu.dma_semaphore, #tpu.memory_space<semaphore_mem>>
    %dma_start3A_11 = tpu.memref_squeeze %dma_start3A_10 : memref<1x!tpu.dma_semaphore, #tpu.memory_space<semaphore_mem>> -> memref<!tpu.dma_semaphore, #tpu.memory_space<semaphore_mem>>
    %dma_start3A_12 = arith.constant 0 : i32
    %dma_start3A_13 = tpu.memref_slice %arg6[%dma_start3A_3, %dma_start3A_12] : memref<4x64xi32, #tpu.memory_space<vmem>> -> memref<1x64xi32, #tpu.memory_space<vmem>>
    %dma_start3A_14 = tpu.memref_squeeze %dma_start3A_13 : memref<1x64xi32, #tpu.memory_space<vmem>> -> memref<64xi32, #tpu.memory_space<vmem>>
    %dma_start3A_15 = tpu.memref_slice %arg2[%dma_start3A, %multiple_of3A] : memref<4x2048xi32, #tpu.memory_space<hbm>> -> memref<1x64xi32, #tpu.memory_space<hbm>>
    %dma_start3A_16 = tpu.memref_squeeze %dma_start3A_15 : memref<1x64xi32, #tpu.memory_space<hbm>> -> memref<64xi32, #tpu.memory_space<hbm>>
    tpu.enqueue_dma source(%dma_start3A_16 : memref<64xi32, #tpu.memory_space<hbm>>) target(%dma_start3A_14 : memref<64xi32, #tpu.memory_space<vmem>>) target_semaphore(%dma_start3A_11 : memref<!tpu.dma_semaphore, #tpu.memory_space<semaphore_mem>>)
    %dma_start3A_17 = arith.constant 1 : i32
    %dma_start3A_18 = arith.constant 1 : i32
    %dma_start3A_19 = arith.constant 1 : i32
    %dma_start3A_20 = arith.constant 0 : i32
    %dma_start3A_21 = tpu.memref_slice %arg6[%dma_start3A_18, %dma_start3A_20] : memref<4x64xi32, #tpu.memory_space<vmem>> -> memref<1x64xi32, #tpu.memory_space<vmem>>
    %dma_start3A_22 = tpu.memref_squeeze %dma_start3A_21 : memref<1x64xi32, #tpu.memory_space<vmem>> -> memref<64xi32, #tpu.memory_space<vmem>>
    %dma_start3A_23 = tpu.memref_slice %arg2[%dma_start3A_17, %multiple_of3A] : memref<4x2048xi32, #tpu.memory_space<hbm>> -> memref<1x64xi32, #tpu.memory_space<hbm>>
    %dma_start3A_24 = tpu.memref_squeeze %dma_start3A_23 : memref<1x64xi32, #tpu.memory_space<hbm>> -> memref<64xi32, #tpu.memory_space<hbm>>
    %dma_start3A_25 = tpu.memref_slice %arg9[%dma_start3A_19] : memref<10x!tpu.dma_semaphore, #tpu.memory_space<semaphore_mem>> -> memref<1x!tpu.dma_semaphore, #tpu.memory_space<semaphore_mem>>
    %dma_start3A_26 = tpu.memref_squeeze %dma_start3A_25 : memref<1x!tpu.dma_semaphore, #tpu.memory_space<semaphore_mem>> -> memref<!tpu.dma_semaphore, #tpu.memory_space<semaphore_mem>>
    %dma_start3A_27 = arith.constant 0 : i32
    %dma_start3A_28 = tpu.memref_slice %arg6[%dma_start3A_18, %dma_start3A_27] : memref<4x64xi32, #tpu.memory_space<vmem>> -> memref<1x64xi32, #tpu.memory_space<vmem>>
    %dma_start3A_29 = tpu.memref_squeeze %dma_start3A_28 : memref<1x64xi32, #tpu.memory_space<vmem>> -> memref<64xi32, #tpu.memory_space<vmem>>
    %dma_start3A_30 = tpu.memref_slice %arg2[%dma_start3A_17, %multiple_of3A] : memref<4x2048xi32, #tpu.memory_space<hbm>> -> memref<1x64xi32, #tpu.memory_space<hbm>>
    %dma_start3A_31 = tpu.memref_squeeze %dma_start3A_30 : memref<1x64xi32, #tpu.memory_space<hbm>> -> memref<64xi32, #tpu.memory_space<hbm>>
    tpu.enqueue_dma source(%dma_start3A_31 : memref<64xi32, #tpu.memory_space<hbm>>) target(%dma_start3A_29 : memref<64xi32, #tpu.memory_space<vmem>>) target_semaphore(%dma_start3A_26 : memref<!tpu.dma_semaphore, #tpu.memory_space<semaphore_mem>>)
    %dma_start3A_32 = arith.constant 2 : i32
    %dma_start3A_33 = arith.constant 2 : i32
    %dma_start3A_34 = arith.constant 2 : i32
    %dma_start3A_35 = arith.constant 0 : i32
    %dma_start3A_36 = tpu.memref_slice %arg6[%dma_start3A_33, %dma_start3A_35] : memref<4x64xi32, #tpu.memory_space<vmem>> -> memref<1x64xi32, #tpu.memory_space<vmem>>
    %dma_start3A_37 = tpu.memref_squeeze %dma_start3A_36 : memref<1x64xi32, #tpu.memory_space<vmem>> -> memref<64xi32, #tpu.memory_space<vmem>>
    %dma_start3A_38 = tpu.memref_slice %arg2[%dma_start3A_32, %multiple_of3A] : memref<4x2048xi32, #tpu.memory_space<hbm>> -> memref<1x64xi32, #tpu.memory_space<hbm>>
    %dma_start3A_39 = tpu.memref_squeeze %dma_start3A_38 : memref<1x64xi32, #tpu.memory_space<hbm>> -> memref<64xi32, #tpu.memory_space<hbm>>
    %dma_start3A_40 = tpu.memref_slice %arg9[%dma_start3A_34] : memref<10x!tpu.dma_semaphore, #tpu.memory_space<semaphore_mem>> -> memref<1x!tpu.dma_semaphore, #tpu.memory_space<semaphore_mem>>
    %dma_start3A_41 = tpu.memref_squeeze %dma_start3A_40 : memref<1x!tpu.dma_semaphore, #tpu.memory_space<semaphore_mem>> -> memref<!tpu.dma_semaphore, #tpu.memory_space<semaphore_mem>>
    %dma_start3A_42 = arith.constant 0 : i32
    %dma_start3A_43 = tpu.memref_slice %arg6[%dma_start3A_33, %dma_start3A_42] : memref<4x64xi32, #tpu.memory_space<vmem>> -> memref<1x64xi32, #tpu.memory_space<vmem>>
    %dma_start3A_44 = tpu.memref_squeeze %dma_start3A_43 : memref<1x64xi32, #tpu.memory_space<vmem>> -> memref<64xi32, #tpu.memory_space<vmem>>
    %dma_start3A_45 = tpu.memref_slice %arg2[%dma_start3A_32, %multiple_of3A] : memref<4x2048xi32, #tpu.memory_space<hbm>> -> memref<1x64xi32, #tpu.memory_space<hbm>>
    %dma_start3A_46 = tpu.memref_squeeze %dma_start3A_45 : memref<1x64xi32, #tpu.memory_space<hbm>> -> memref<64xi32, #tpu.memory_space<hbm>>
    tpu.enqueue_dma source(%dma_start3A_46 : memref<64xi32, #tpu.memory_space<hbm>>) target(%dma_start3A_44 : memref<64xi32, #tpu.memory_space<vmem>>) target_semaphore(%dma_start3A_41 : memref<!tpu.dma_semaphore, #tpu.memory_space<semaphore_mem>>)
    %dma_start3A_47 = arith.constant 3 : i32
    %dma_start3A_48 = arith.constant 3 : i32
    %dma_start3A_49 = arith.constant 3 : i32
    %dma_start3A_50 = arith.constant 0 : i32
    %dma_start3A_51 = tpu.memref_slice %arg6[%dma_start3A_48, %dma_start3A_50] : memref<4x64xi32, #tpu.memory_space<vmem>> -> memref<1x64xi32, #tpu.memory_space<vmem>>
    %dma_start3A_52 = tpu.memref_squeeze %dma_start3A_51 : memref<1x64xi32, #tpu.memory_space<vmem>> -> memref<64xi32, #tpu.memory_space<vmem>>
    %dma_start3A_53 = tpu.memref_slice %arg2[%dma_start3A_47, %multiple_of3A] : memref<4x2048xi32, #tpu.memory_space<hbm>> -> memref<1x64xi32, #tpu.memory_space<hbm>>
    %dma_start3A_54 = tpu.memref_squeeze %dma_start3A_53 : memref<1x64xi32, #tpu.memory_space<hbm>> -> memref<64xi32, #tpu.memory_space<hbm>>
    %dma_start3A_55 = tpu.memref_slice %arg9[%dma_start3A_49] : memref<10x!tpu.dma_semaphore, #tpu.memory_space<semaphore_mem>> -> memref<1x!tpu.dma_semaphore, #tpu.memory_space<semaphore_mem>>
    %dma_start3A_56 = tpu.memref_squeeze %dma_start3A_55 : memref<1x!tpu.dma_semaphore, #tpu.memory_space<semaphore_mem>> -> memref<!tpu.dma_semaphore, #tpu.memory_space<semaphore_mem>>
    %dma_start3A_57 = arith.constant 0 : i32
    %dma_start3A_58 = tpu.memref_slice %arg6[%dma_start3A_48, %dma_start3A_57] : memref<4x64xi32, #tpu.memory_space<vmem>> -> memref<1x64xi32, #tpu.memory_space<vmem>>
    %dma_start3A_59 = tpu.memref_squeeze %dma_start3A_58 : memref<1x64xi32, #tpu.memory_space<vmem>> -> memref<64xi32, #tpu.memory_space<vmem>>
    %dma_start3A_60 = tpu.memref_slice %arg2[%dma_start3A_47, %multiple_of3A] : memref<4x2048xi32, #tpu.memory_space<hbm>> -> memref<1x64xi32, #tpu.memory_space<hbm>>
    %dma_start3A_61 = tpu.memref_squeeze %dma_start3A_60 : memref<1x64xi32, #tpu.memory_space<hbm>> -> memref<64xi32, #tpu.memory_space<hbm>>
    tpu.enqueue_dma source(%dma_start3A_61 : memref<64xi32, #tpu.memory_space<hbm>>) target(%dma_start3A_59 : memref<64xi32, #tpu.memory_space<vmem>>) target_semaphore(%dma_start3A_56 : memref<!tpu.dma_semaphore, #tpu.memory_space<semaphore_mem>>)
    %dma_start3A_62 = arith.constant 9 : i32
    %dma_start3A_63 = arith.constant 0 : i32
    %dma_start3A_64 = tpu.memref_slice %arg4[%multiple_of3A, %dma_start3A_63] : memref<2048x128xf32, #tpu.memory_space<hbm>> -> memref<64x128xf32, #tpu.memory_space<hbm>>
    %dma_start3A_65 = tpu.memref_slice %arg9[%dma_start3A_62] : memref<10x!tpu.dma_semaphore, #tpu.memory_space<semaphore_mem>> -> memref<1x!tpu.dma_semaphore, #tpu.memory_space<semaphore_mem>>
    %dma_start3A_66 = tpu.memref_squeeze %dma_start3A_65 : memref<1x!tpu.dma_semaphore, #tpu.memory_space<semaphore_mem>> -> memref<!tpu.dma_semaphore, #tpu.memory_space<semaphore_mem>>
    %dma_start3A_67 = arith.constant 0 : i32
    %dma_start3A_68 = tpu.memref_slice %arg4[%multiple_of3A, %dma_start3A_67] : memref<2048x128xf32, #tpu.memory_space<hbm>> -> memref<64x128xf32, #tpu.memory_space<hbm>>
    tpu.enqueue_dma source(%dma_start3A_68 : memref<64x128xf32, #tpu.memory_space<hbm>>) target(%arg8 : memref<64x128xf32, #tpu.memory_space<vmem>>) target_semaphore(%dma_start3A_66 : memref<!tpu.dma_semaphore, #tpu.memory_space<semaphore_mem>>)
    %dma_wait3A = arith.constant 0 : i32
    %dma_wait3A_69 = arith.constant 0 : i32
    %dma_wait3A_70 = arith.constant 0 : i32
    %dma_wait3A_71 = arith.constant 0 : i32
    %dma_wait3A_72 = tpu.memref_slice %arg6[%dma_wait3A_69, %dma_wait3A_71] : memref<4x64xi32, #tpu.memory_space<vmem>> -> memref<1x64xi32, #tpu.memory_space<vmem>>
    %dma_wait3A_73 = tpu.memref_squeeze %dma_wait3A_72 : memref<1x64xi32, #tpu.memory_space<vmem>> -> memref<64xi32, #tpu.memory_space<vmem>>
    %dma_wait3A_74 = tpu.memref_slice %arg2[%dma_wait3A, %multiple_of3A] : memref<4x2048xi32, #tpu.memory_space<hbm>> -> memref<1x64xi32, #tpu.memory_space<hbm>>
    %dma_wait3A_75 = tpu.memref_squeeze %dma_wait3A_74 : memref<1x64xi32, #tpu.memory_space<hbm>> -> memref<64xi32, #tpu.memory_space<hbm>>
    %dma_wait3A_76 = tpu.memref_slice %arg9[%dma_wait3A_70] : memref<10x!tpu.dma_semaphore, #tpu.memory_space<semaphore_mem>> -> memref<1x!tpu.dma_semaphore, #tpu.memory_space<semaphore_mem>>
    %dma_wait3A_77 = tpu.memref_squeeze %dma_wait3A_76 : memref<1x!tpu.dma_semaphore, #tpu.memory_space<semaphore_mem>> -> memref<!tpu.dma_semaphore, #tpu.memory_space<semaphore_mem>>
    %dma_wait3A_78 = arith.constant 0 : i32
    %dma_wait3A_79 = tpu.memref_slice %arg6[%dma_wait3A_69, %dma_wait3A_78] : memref<4x64xi32, #tpu.memory_space<vmem>> -> memref<1x64xi32, #tpu.memory_space<vmem>>
    %dma_wait3A_80 = tpu.memref_squeeze %dma_wait3A_79 : memref<1x64xi32, #tpu.memory_space<vmem>> -> memref<64xi32, #tpu.memory_space<vmem>>
    %dma_wait3A_81 = tpu.memref_slice %arg2[%dma_wait3A, %multiple_of3A] : memref<4x2048xi32, #tpu.memory_space<hbm>> -> memref<1x64xi32, #tpu.memory_space<hbm>>
    %dma_wait3A_82 = tpu.memref_squeeze %dma_wait3A_81 : memref<1x64xi32, #tpu.memory_space<hbm>> -> memref<64xi32, #tpu.memory_space<hbm>>
    tpu.wait_dma2 semaphore(%dma_wait3A_77 : memref<!tpu.dma_semaphore, #tpu.memory_space<semaphore_mem>>) src(%dma_wait3A_82 : memref<64xi32, #tpu.memory_space<hbm>>) dst(%dma_wait3A_80 : memref<64xi32, #tpu.memory_space<vmem>>)
    %dma_wait3A_83 = arith.constant 1 : i32
    %dma_wait3A_84 = arith.constant 1 : i32
    %dma_wait3A_85 = arith.constant 1 : i32
    %dma_wait3A_86 = arith.constant 0 : i32
    %dma_wait3A_87 = tpu.memref_slice %arg6[%dma_wait3A_84, %dma_wait3A_86] : memref<4x64xi32, #tpu.memory_space<vmem>> -> memref<1x64xi32, #tpu.memory_space<vmem>>
    %dma_wait3A_88 = tpu.memref_squeeze %dma_wait3A_87 : memref<1x64xi32, #tpu.memory_space<vmem>> -> memref<64xi32, #tpu.memory_space<vmem>>
    %dma_wait3A_89 = tpu.memref_slice %arg2[%dma_wait3A_83, %multiple_of3A] : memref<4x2048xi32, #tpu.memory_space<hbm>> -> memref<1x64xi32, #tpu.memory_space<hbm>>
    %dma_wait3A_90 = tpu.memref_squeeze %dma_wait3A_89 : memref<1x64xi32, #tpu.memory_space<hbm>> -> memref<64xi32, #tpu.memory_space<hbm>>
    %dma_wait3A_91 = tpu.memref_slice %arg9[%dma_wait3A_85] : memref<10x!tpu.dma_semaphore, #tpu.memory_space<semaphore_mem>> -> memref<1x!tpu.dma_semaphore, #tpu.memory_space<semaphore_mem>>
    %dma_wait3A_92 = tpu.memref_squeeze %dma_wait3A_91 : memref<1x!tpu.dma_semaphore, #tpu.memory_space<semaphore_mem>> -> memref<!tpu.dma_semaphore, #tpu.memory_space<semaphore_mem>>
    %dma_wait3A_93 = arith.constant 0 : i32
    %dma_wait3A_94 = tpu.memref_slice %arg6[%dma_wait3A_84, %dma_wait3A_93] : memref<4x64xi32, #tpu.memory_space<vmem>> -> memref<1x64xi32, #tpu.memory_space<vmem>>
    %dma_wait3A_95 = tpu.memref_squeeze %dma_wait3A_94 : memref<1x64xi32, #tpu.memory_space<vmem>> -> memref<64xi32, #tpu.memory_space<vmem>>
    %dma_wait3A_96 = tpu.memref_slice %arg2[%dma_wait3A_83, %multiple_of3A] : memref<4x2048xi32, #tpu.memory_space<hbm>> -> memref<1x64xi32, #tpu.memory_space<hbm>>
    %dma_wait3A_97 = tpu.memref_squeeze %dma_wait3A_96 : memref<1x64xi32, #tpu.memory_space<hbm>> -> memref<64xi32, #tpu.memory_space<hbm>>
    tpu.wait_dma2 semaphore(%dma_wait3A_92 : memref<!tpu.dma_semaphore, #tpu.memory_space<semaphore_mem>>) src(%dma_wait3A_97 : memref<64xi32, #tpu.memory_space<hbm>>) dst(%dma_wait3A_95 : memref<64xi32, #tpu.memory_space<vmem>>)
    %dma_wait3A_98 = arith.constant 2 : i32
    %dma_wait3A_99 = arith.constant 2 : i32
    %dma_wait3A_100 = arith.constant 2 : i32
    %dma_wait3A_101 = arith.constant 0 : i32
    %dma_wait3A_102 = tpu.memref_slice %arg6[%dma_wait3A_99, %dma_wait3A_101] : memref<4x64xi32, #tpu.memory_space<vmem>> -> memref<1x64xi32, #tpu.memory_space<vmem>>
    %dma_wait3A_103 = tpu.memref_squeeze %dma_wait3A_102 : memref<1x64xi32, #tpu.memory_space<vmem>> -> memref<64xi32, #tpu.memory_space<vmem>>
    %dma_wait3A_104 = tpu.memref_slice %arg2[%dma_wait3A_98, %multiple_of3A] : memref<4x2048xi32, #tpu.memory_space<hbm>> -> memref<1x64xi32, #tpu.memory_space<hbm>>
    %dma_wait3A_105 = tpu.memref_squeeze %dma_wait3A_104 : memref<1x64xi32, #tpu.memory_space<hbm>> -> memref<64xi32, #tpu.memory_space<hbm>>
    %dma_wait3A_106 = tpu.memref_slice %arg9[%dma_wait3A_100] : memref<10x!tpu.dma_semaphore, #tpu.memory_space<semaphore_mem>> -> memref<1x!tpu.dma_semaphore, #tpu.memory_space<semaphore_mem>>
    %dma_wait3A_107 = tpu.memref_squeeze %dma_wait3A_106 : memref<1x!tpu.dma_semaphore, #tpu.memory_space<semaphore_mem>> -> memref<!tpu.dma_semaphore, #tpu.memory_space<semaphore_mem>>
    %dma_wait3A_108 = arith.constant 0 : i32
    %dma_wait3A_109 = tpu.memref_slice %arg6[%dma_wait3A_99, %dma_wait3A_108] : memref<4x64xi32, #tpu.memory_space<vmem>> -> memref<1x64xi32, #tpu.memory_space<vmem>>
    %dma_wait3A_110 = tpu.memref_squeeze %dma_wait3A_109 : memref<1x64xi32, #tpu.memory_space<vmem>> -> memref<64xi32, #tpu.memory_space<vmem>>
    %dma_wait3A_111 = tpu.memref_slice %arg2[%dma_wait3A_98, %multiple_of3A] : memref<4x2048xi32, #tpu.memory_space<hbm>> -> memref<1x64xi32, #tpu.memory_space<hbm>>
    %dma_wait3A_112 = tpu.memref_squeeze %dma_wait3A_111 : memref<1x64xi32, #tpu.memory_space<hbm>> -> memref<64xi32, #tpu.memory_space<hbm>>
    tpu.wait_dma2 semaphore(%dma_wait3A_107 : memref<!tpu.dma_semaphore, #tpu.memory_space<semaphore_mem>>) src(%dma_wait3A_112 : memref<64xi32, #tpu.memory_space<hbm>>) dst(%dma_wait3A_110 : memref<64xi32, #tpu.memory_space<vmem>>)
    %dma_wait3A_113 = arith.constant 3 : i32
    %dma_wait3A_114 = arith.constant 3 : i32
    %dma_wait3A_115 = arith.constant 3 : i32
    %dma_wait3A_116 = arith.constant 0 : i32
    %dma_wait3A_117 = tpu.memref_slice %arg6[%dma_wait3A_114, %dma_wait3A_116] : memref<4x64xi32, #tpu.memory_space<vmem>> -> memref<1x64xi32, #tpu.memory_space<vmem>>
    %dma_wait3A_118 = tpu.memref_squeeze %dma_wait3A_117 : memref<1x64xi32, #tpu.memory_space<vmem>> -> memref<64xi32, #tpu.memory_space<vmem>>
    %dma_wait3A_119 = tpu.memref_slice %arg2[%dma_wait3A_113, %multiple_of3A] : memref<4x2048xi32, #tpu.memory_space<hbm>> -> memref<1x64xi32, #tpu.memory_space<hbm>>
    %dma_wait3A_120 = tpu.memref_squeeze %dma_wait3A_119 : memref<1x64xi32, #tpu.memory_space<hbm>> -> memref<64xi32, #tpu.memory_space<hbm>>
    %dma_wait3A_121 = tpu.memref_slice %arg9[%dma_wait3A_115] : memref<10x!tpu.dma_semaphore, #tpu.memory_space<semaphore_mem>> -> memref<1x!tpu.dma_semaphore, #tpu.memory_space<semaphore_mem>>
    %dma_wait3A_122 = tpu.memref_squeeze %dma_wait3A_121 : memref<1x!tpu.dma_semaphore, #tpu.memory_space<semaphore_mem>> -> memref<!tpu.dma_semaphore, #tpu.memory_space<semaphore_mem>>
    %dma_wait3A_123 = arith.constant 0 : i32
    %dma_wait3A_124 = tpu.memref_slice %arg6[%dma_wait3A_114, %dma_wait3A_123] : memref<4x64xi32, #tpu.memory_space<vmem>> -> memref<1x64xi32, #tpu.memory_space<vmem>>
    %dma_wait3A_125 = tpu.memref_squeeze %dma_wait3A_124 : memref<1x64xi32, #tpu.memory_space<vmem>> -> memref<64xi32, #tpu.memory_space<vmem>>
    %dma_wait3A_126 = tpu.memref_slice %arg2[%dma_wait3A_113, %multiple_of3A] : memref<4x2048xi32, #tpu.memory_space<hbm>> -> memref<1x64xi32, #tpu.memory_space<hbm>>
    %dma_wait3A_127 = tpu.memref_squeeze %dma_wait3A_126 : memref<1x64xi32, #tpu.memory_space<hbm>> -> memref<64xi32, #tpu.memory_space<hbm>>
    tpu.wait_dma2 semaphore(%dma_wait3A_122 : memref<!tpu.dma_semaphore, #tpu.memory_space<semaphore_mem>>) src(%dma_wait3A_127 : memref<64xi32, #tpu.memory_space<hbm>>) dst(%dma_wait3A_125 : memref<64xi32, #tpu.memory_space<vmem>>)
    %scan3A = arith.constant 0 : i32
    %scan3A_128 = arith.constant 0 : i32
    %scan3A_129 = arith.constant 8 : i32
    %scan3A_130 = arith.addi %scan3A_128, %scan3A_129 : i32
    %scan3A_131 = arith.constant 1 : i32
    scf.for %scan3A_152 = %scan3A_128 to %scan3A_130 step %scan3A_131  : i32 {
      %jit3A = arith.constant 2 : i32
      %div3A = arith.divsi %scan3A_152, %jit3A : i32
      %sign3A = arith.constant 0 : i32
      %sign3A_153 = arith.cmpi sgt, %scan3A_152, %sign3A : i32
      %sign3A_154 = arith.extui %sign3A_153 : i1 to i32
      %sign3A_155 = arith.constant 0 : i32
      %sign3A_156 = arith.cmpi slt, %scan3A_152, %sign3A_155 : i32
      %sign3A_157 = arith.extui %sign3A_156 : i1 to i32
      %sign3A_158 = arith.subi %sign3A_154, %sign3A_157 : i32
      %sign3A_159 = arith.constant 0 : i32
      %sign3A_160 = arith.cmpi sgt, %jit3A, %sign3A_159 : i32
      %sign3A_161 = arith.extui %sign3A_160 : i1 to i32
      %sign3A_162 = arith.constant 0 : i32
      %sign3A_163 = arith.cmpi slt, %jit3A, %sign3A_162 : i32
      %sign3A_164 = arith.extui %sign3A_163 : i1 to i32
      %sign3A_165 = arith.subi %sign3A_161, %sign3A_164 : i32
      %ne3A = arith.cmpi ne, %sign3A_158, %sign3A_165 : i32
      %rem3A = arith.remsi %scan3A_152, %jit3A : i32
      %ne3A_166 = arith.constant 0 : i32
      %ne3A_167 = arith.cmpi ne, %rem3A, %ne3A_166 : i32
      %and3A = arith.andi %ne3A, %ne3A_167 : i1
      %sub3A = arith.constant 1 : i32
      %sub3A_168 = arith.subi %div3A, %sub3A : i32
      %select_n3A = arith.select %and3A, %sub3A_168, %div3A : i32
      %mul3A_169 = arith.constant 2 : i32
      %mul3A_170 = arith.muli %mul3A_169, %select_n3A : i32
      %sub3A_171 = arith.subi %scan3A_152, %mul3A_170 : i32
      %mul3A_172 = arith.constant 32 : i32
      %mul3A_173 = arith.muli %sub3A_171, %mul3A_172 : i32
      %dma_start3A_174 = arith.constant 0 : i32
      %dma_start3A_175 = arith.constant 0 : i32
      %dma_start3A_176 = tpu.memref_slice %arg7[%scan3A_152, %dma_start3A_174, %dma_start3A_175] : memref<8x32x128xf32, #tpu.memory_space<vmem>> -> memref<1x32x128xf32, #tpu.memory_space<vmem>>
      %dma_start3A_177 = tpu.memref_squeeze %dma_start3A_176 : memref<1x32x128xf32, #tpu.memory_space<vmem>> -> memref<32x128xf32, #tpu.memory_space<vmem>>
      %dma_start3A_178 = tpu.memref_slice %arg6[%select_n3A, %mul3A_173] : memref<4x64xi32, #tpu.memory_space<vmem>> -> memref<1x32xi32, #tpu.memory_space<vmem>>
      %dma_start3A_179 = tpu.memref_squeeze %dma_start3A_178 : memref<1x32xi32, #tpu.memory_space<vmem>> -> memref<32xi32, #tpu.memory_space<vmem>>
      %dma_start3A_180 = arith.constant 0 : i32
      %dma_start3A_181 = arith.constant 0 : i32
      %dma_start3A_182 = tpu.memref_slice %arg3[%dma_start3A_180, %dma_start3A_181] : memref<100000x128xf32, #tpu.memory_space<hbm>> -> memref<100000x128xf32, #tpu.memory_space<hbm>>
      %dma_start3A_183 = tpu.memref_slice %arg9[%scan3A_152] : memref<10x!tpu.dma_semaphore, #tpu.memory_space<semaphore_mem>> -> memref<1x!tpu.dma_semaphore, #tpu.memory_space<semaphore_mem>>
      %dma_start3A_184 = tpu.memref_squeeze %dma_start3A_183 : memref<1x!tpu.dma_semaphore, #tpu.memory_space<semaphore_mem>> -> memref<!tpu.dma_semaphore, #tpu.memory_space<semaphore_mem>>
      tpu.enqueue_indirect_dma source(%dma_start3A_182 : memref<100000x128xf32, #tpu.memory_space<hbm>>) target(%dma_start3A_177 : memref<32x128xf32, #tpu.memory_space<vmem>>) offsets(%dma_start3A_179 : memref<32xi32, #tpu.memory_space<vmem>>) semaphore(%dma_start3A_184 : memref<!tpu.dma_semaphore, #tpu.memory_space<semaphore_mem>>)
    }
    %scan3A_132 = arith.constant 8 : i32
    %dma_wait3A_133 = arith.constant 9 : i32
    %dma_wait3A_134 = arith.constant 0 : i32
    %dma_wait3A_135 = tpu.memref_slice %arg4[%multiple_of3A, %dma_wait3A_134] : memref<2048x128xf32, #tpu.memory_space<hbm>> -> memref<64x128xf32, #tpu.memory_space<hbm>>
    %dma_wait3A_136 = tpu.memref_slice %arg9[%dma_wait3A_133] : memref<10x!tpu.dma_semaphore, #tpu.memory_space<semaphore_mem>> -> memref<1x!tpu.dma_semaphore, #tpu.memory_space<semaphore_mem>>
    %dma_wait3A_137 = tpu.memref_squeeze %dma_wait3A_136 : memref<1x!tpu.dma_semaphore, #tpu.memory_space<semaphore_mem>> -> memref<!tpu.dma_semaphore, #tpu.memory_space<semaphore_mem>>
    %dma_wait3A_138 = arith.constant 0 : i32
    %dma_wait3A_139 = tpu.memref_slice %arg4[%multiple_of3A, %dma_wait3A_138] : memref<2048x128xf32, #tpu.memory_space<hbm>> -> memref<64x128xf32, #tpu.memory_space<hbm>>
    tpu.wait_dma2 semaphore(%dma_wait3A_137 : memref<!tpu.dma_semaphore, #tpu.memory_space<semaphore_mem>>) src(%dma_wait3A_139 : memref<64x128xf32, #tpu.memory_space<hbm>>) dst(%arg8 : memref<64x128xf32, #tpu.memory_space<vmem>>)
    %scan3A_140 = arith.constant 0 : i32
    %scan3A_141 = arith.constant 0 : i32
    %scan3A_142 = arith.constant 8 : i32
    %scan3A_143 = arith.addi %scan3A_141, %scan3A_142 : i32
    %scan3A_144 = arith.constant 1 : i32
    scf.for %scan3A_152 = %scan3A_141 to %scan3A_143 step %scan3A_144  : i32 {
      %jit3A = arith.constant 2 : i32
      %div3A = arith.divsi %scan3A_152, %jit3A : i32
      %sign3A = arith.constant 0 : i32
      %sign3A_153 = arith.cmpi sgt, %scan3A_152, %sign3A : i32
      %sign3A_154 = arith.extui %sign3A_153 : i1 to i32
      %sign3A_155 = arith.constant 0 : i32
      %sign3A_156 = arith.cmpi slt, %scan3A_152, %sign3A_155 : i32
      %sign3A_157 = arith.extui %sign3A_156 : i1 to i32
      %sign3A_158 = arith.subi %sign3A_154, %sign3A_157 : i32
      %sign3A_159 = arith.constant 0 : i32
      %sign3A_160 = arith.cmpi sgt, %jit3A, %sign3A_159 : i32
      %sign3A_161 = arith.extui %sign3A_160 : i1 to i32
      %sign3A_162 = arith.constant 0 : i32
      %sign3A_163 = arith.cmpi slt, %jit3A, %sign3A_162 : i32
      %sign3A_164 = arith.extui %sign3A_163 : i1 to i32
      %sign3A_165 = arith.subi %sign3A_161, %sign3A_164 : i32
      %ne3A = arith.cmpi ne, %sign3A_158, %sign3A_165 : i32
      %rem3A = arith.remsi %scan3A_152, %jit3A : i32
      %ne3A_166 = arith.constant 0 : i32
      %ne3A_167 = arith.cmpi ne, %rem3A, %ne3A_166 : i32
      %and3A = arith.andi %ne3A, %ne3A_167 : i1
      %sub3A = arith.constant 1 : i32
      %sub3A_168 = arith.subi %div3A, %sub3A : i32
      %select_n3A = arith.select %and3A, %sub3A_168, %div3A : i32
      %mul3A_169 = arith.constant 2 : i32
      %mul3A_170 = arith.muli %mul3A_169, %select_n3A : i32
      %sub3A_171 = arith.subi %scan3A_152, %mul3A_170 : i32
      %mul3A_172 = arith.constant 32 : i32
      %mul3A_173 = arith.muli %sub3A_171, %mul3A_172 : i32
      %dma_wait3A_174 = arith.constant 0 : i32
      %dma_wait3A_175 = arith.constant 0 : i32
      %dma_wait3A_176 = tpu.memref_slice %arg7[%scan3A_152, %dma_wait3A_174, %dma_wait3A_175] : memref<8x32x128xf32, #tpu.memory_space<vmem>> -> memref<1x32x128xf32, #tpu.memory_space<vmem>>
      %dma_wait3A_177 = tpu.memref_squeeze %dma_wait3A_176 : memref<1x32x128xf32, #tpu.memory_space<vmem>> -> memref<32x128xf32, #tpu.memory_space<vmem>>
      %dma_wait3A_178 = tpu.memref_slice %arg6[%select_n3A, %mul3A_173] : memref<4x64xi32, #tpu.memory_space<vmem>> -> memref<1x32xi32, #tpu.memory_space<vmem>>
      %dma_wait3A_179 = tpu.memref_squeeze %dma_wait3A_178 : memref<1x32xi32, #tpu.memory_space<vmem>> -> memref<32xi32, #tpu.memory_space<vmem>>
      %dma_wait3A_180 = arith.constant 0 : i32
      %dma_wait3A_181 = arith.constant 0 : i32
      %dma_wait3A_182 = tpu.memref_slice %arg3[%dma_wait3A_180, %dma_wait3A_181] : memref<100000x128xf32, #tpu.memory_space<hbm>> -> memref<100000x128xf32, #tpu.memory_space<hbm>>
      %dma_wait3A_183 = tpu.memref_slice %arg9[%scan3A_152] : memref<10x!tpu.dma_semaphore, #tpu.memory_space<semaphore_mem>> -> memref<1x!tpu.dma_semaphore, #tpu.memory_space<semaphore_mem>>
      %dma_wait3A_184 = tpu.memref_squeeze %dma_wait3A_183 : memref<1x!tpu.dma_semaphore, #tpu.memory_space<semaphore_mem>> -> memref<!tpu.dma_semaphore, #tpu.memory_space<semaphore_mem>>
      tpu.wait_indirect_dma semaphore(%dma_wait3A_184 : memref<!tpu.dma_semaphore, #tpu.memory_space<semaphore_mem>>) src(%dma_wait3A_182 : memref<100000x128xf32, #tpu.memory_space<hbm>>) dst(%dma_wait3A_177 : memref<32x128xf32, #tpu.memory_space<vmem>>)
      %jit3A_185 = arith.constant 2 : i32
      %div3A_186 = arith.divsi %scan3A_152, %jit3A_185 : i32
      %sign3A_187 = arith.constant 0 : i32
      %sign3A_188 = arith.cmpi sgt, %scan3A_152, %sign3A_187 : i32
      %sign3A_189 = arith.extui %sign3A_188 : i1 to i32
      %sign3A_190 = arith.constant 0 : i32
      %sign3A_191 = arith.cmpi slt, %scan3A_152, %sign3A_190 : i32
      %sign3A_192 = arith.extui %sign3A_191 : i1 to i32
      %sign3A_193 = arith.subi %sign3A_189, %sign3A_192 : i32
      %sign3A_194 = arith.constant 0 : i32
      %sign3A_195 = arith.cmpi sgt, %jit3A_185, %sign3A_194 : i32
      %sign3A_196 = arith.extui %sign3A_195 : i1 to i32
      %sign3A_197 = arith.constant 0 : i32
      %sign3A_198 = arith.cmpi slt, %jit3A_185, %sign3A_197 : i32
      %sign3A_199 = arith.extui %sign3A_198 : i1 to i32
      %sign3A_200 = arith.subi %sign3A_196, %sign3A_199 : i32
      %ne3A_201 = arith.cmpi ne, %sign3A_193, %sign3A_200 : i32
      %rem3A_202 = arith.remsi %scan3A_152, %jit3A_185 : i32
      %ne3A_203 = arith.constant 0 : i32
      %ne3A_204 = arith.cmpi ne, %rem3A_202, %ne3A_203 : i32
      %and3A_205 = arith.andi %ne3A_201, %ne3A_204 : i1
      %sub3A_206 = arith.constant 1 : i32
      %sub3A_207 = arith.subi %div3A_186, %sub3A_206 : i32
      %select_n3A_208 = arith.select %and3A_205, %sub3A_207, %div3A_186 : i32
      %mul3A_209 = arith.constant 2 : i32
      %mul3A_210 = arith.muli %mul3A_209, %select_n3A_208 : i32
      %sub3A_211 = arith.subi %scan3A_152, %mul3A_210 : i32
      %parallel_loop3A = arith.constant 0 : i32
      %parallel_loop3A_212 = arith.constant 32 : i32
      %parallel_loop3A_213 = arith.constant 1 : i32
      scf.for %parallel_loop3A_261 = %parallel_loop3A to %parallel_loop3A_212 step %parallel_loop3A_213  : i32 {
        %parallel_loop3A_262 = arith.constant 32 : i32
        %parallel_loop3A_263 = arith.muli %sub3A_211, %parallel_loop3A_262 : i32
        %parallel_loop3A_264 = arith.addi %parallel_loop3A_263, %parallel_loop3A_261 : i32
        %parallel_loop3A_265 = arith.index_cast %parallel_loop3A_264 : i32 to index
        %parallel_loop3A_266 = arith.constant 0 : index
        %parallel_loop3A_267 = tpu.vector_load %arg8[%parallel_loop3A_265, %parallel_loop3A_266] {strides = array<i32>} : memref<64x128xf32, #tpu.memory_space<vmem>>, vector<1x16xf32>,
        %parallel_loop3A_268 = vector.shape_cast %parallel_loop3A_267 : vector<1x16xf32> to vector<16xf32>
        %parallel_loop3A_269 = arith.index_cast %scan3A_152 : i32 to index
        %parallel_loop3A_270 = arith.index_cast %parallel_loop3A_261 : i32 to index
        %parallel_loop3A_271 = arith.constant 0 : index
        %parallel_loop3A_272 = tpu.vector_load %arg7[%parallel_loop3A_269, %parallel_loop3A_270, %parallel_loop3A_271] {strides = array<i32>} : memref<8x32x128xf32, #tpu.memory_space<vmem>>, vector<1x1x16xf32>,
        %parallel_loop3A_273 = vector.shape_cast %parallel_loop3A_272 : vector<1x1x16xf32> to vector<16xf32>
        %parallel_loop3A_274 = vector.shape_cast %parallel_loop3A_268 : vector<16xf32> to vector<1x1x16xf32>
        tpu.vector_store %arg7[%parallel_loop3A_269, %parallel_loop3A_270, %parallel_loop3A_271], %parallel_loop3A_274 {add = true, strides = array<i32>} : memref<8x32x128xf32, #tpu.memory_space<vmem>>, vector<1x1x16xf32>,
        %parallel_loop3A_275 = arith.constant 32 : i32
        %parallel_loop3A_276 = arith.muli %sub3A_211, %parallel_loop3A_275 : i32
        %parallel_loop3A_277 = arith.addi %parallel_loop3A_276, %parallel_loop3A_261 : i32
        %parallel_loop3A_278 = arith.index_cast %parallel_loop3A_277 : i32 to index
        %parallel_loop3A_279 = arith.constant 16 : index
        %parallel_loop3A_280 = tpu.vector_load %arg8[%parallel_loop3A_278, %parallel_loop3A_279] {strides = array<i32>} : memref<64x128xf32, #tpu.memory_space<vmem>>, vector<1x16xf32>,
        %parallel_loop3A_281 = vector.shape_cast %parallel_loop3A_280 : vector<1x16xf32> to vector<16xf32>
        %parallel_loop3A_282 = arith.index_cast %scan3A_152 : i32 to index
        %parallel_loop3A_283 = arith.index_cast %parallel_loop3A_261 : i32 to index
        %parallel_loop3A_284 = arith.constant 16 : index
        %parallel_loop3A_285 = tpu.vector_load %arg7[%parallel_loop3A_282, %parallel_loop3A_283, %parallel_loop3A_284] {strides = array<i32>} : memref<8x32x128xf32, #tpu.memory_space<vmem>>, vector<1x1x16xf32>,
        %parallel_loop3A_286 = vector.shape_cast %parallel_loop3A_285 : vector<1x1x16xf32> to vector<16xf32>
        %parallel_loop3A_287 = vector.shape_cast %parallel_loop3A_281 : vector<16xf32> to vector<1x1x16xf32>
        tpu.vector_store %arg7[%parallel_loop3A_282, %parallel_loop3A_283, %parallel_loop3A_284], %parallel_loop3A_287 {add = true, strides = array<i32>} : memref<8x32x128xf32, #tpu.memory_space<vmem>>, vector<1x1x16xf32>,
        %parallel_loop3A_288 = arith.constant 32 : i32
        %parallel_loop3A_289 = arith.muli %sub3A_211, %parallel_loop3A_288 : i32
        %parallel_loop3A_290 = arith.addi %parallel_loop3A_289, %parallel_loop3A_261 : i32
        %parallel_loop3A_291 = arith.index_cast %parallel_loop3A_290 : i32 to index
        %parallel_loop3A_292 = arith.constant 32 : index
        %parallel_loop3A_293 = tpu.vector_load %arg8[%parallel_loop3A_291, %parallel_loop3A_292] {strides = array<i32>} : memref<64x128xf32, #tpu.memory_space<vmem>>, vector<1x16xf32>,
        %parallel_loop3A_294 = vector.shape_cast %parallel_loop3A_293 : vector<1x16xf32> to vector<16xf32>
        %parallel_loop3A_295 = arith.index_cast %scan3A_152 : i32 to index
        %parallel_loop3A_296 = arith.index_cast %parallel_loop3A_261 : i32 to index
        %parallel_loop3A_297 = arith.constant 32 : index
        %parallel_loop3A_298 = tpu.vector_load %arg7[%parallel_loop3A_295, %parallel_loop3A_296, %parallel_loop3A_297] {strides = array<i32>} : memref<8x32x128xf32, #tpu.memory_space<vmem>>, vector<1x1x16xf32>,
        %parallel_loop3A_299 = vector.shape_cast %parallel_loop3A_298 : vector<1x1x16xf32> to vector<16xf32>
        %parallel_loop3A_300 = vector.shape_cast %parallel_loop3A_294 : vector<16xf32> to vector<1x1x16xf32>
        tpu.vector_store %arg7[%parallel_loop3A_295, %parallel_loop3A_296, %parallel_loop3A_297], %parallel_loop3A_300 {add = true, strides = array<i32>} : memref<8x32x128xf32, #tpu.memory_space<vmem>>, vector<1x1x16xf32>,
        %parallel_loop3A_301 = arith.constant 32 : i32
        %parallel_loop3A_302 = arith.muli %sub3A_211, %parallel_loop3A_301 : i32
        %parallel_loop3A_303 = arith.addi %parallel_loop3A_302, %parallel_loop3A_261 : i32
        %parallel_loop3A_304 = arith.index_cast %parallel_loop3A_303 : i32 to index
        %parallel_loop3A_305 = arith.constant 48 : index
        %parallel_loop3A_306 = tpu.vector_load %arg8[%parallel_loop3A_304, %parallel_loop3A_305] {strides = array<i32>} : memref<64x128xf32, #tpu.memory_space<vmem>>, vector<1x16xf32>,
        %parallel_loop3A_307 = vector.shape_cast %parallel_loop3A_306 : vector<1x16xf32> to vector<16xf32>
        %parallel_loop3A_308 = arith.index_cast %scan3A_152 : i32 to index
        %parallel_loop3A_309 = arith.index_cast %parallel_loop3A_261 : i32 to index
        %parallel_loop3A_310 = arith.constant 48 : index
        %parallel_loop3A_311 = tpu.vector_load %arg7[%parallel_loop3A_308, %parallel_loop3A_309, %parallel_loop3A_310] {strides = array<i32>} : memref<8x32x128xf32, #tpu.memory_space<vmem>>, vector<1x1x16xf32>,
        %parallel_loop3A_312 = vector.shape_cast %parallel_loop3A_311 : vector<1x1x16xf32> to vector<16xf32>
        %parallel_loop3A_313 = vector.shape_cast %parallel_loop3A_307 : vector<16xf32> to vector<1x1x16xf32>
        tpu.vector_store %arg7[%parallel_loop3A_308, %parallel_loop3A_309, %parallel_loop3A_310], %parallel_loop3A_313 {add = true, strides = array<i32>} : memref<8x32x128xf32, #tpu.memory_space<vmem>>, vector<1x1x16xf32>,
        %parallel_loop3A_314 = arith.constant 32 : i32
        %parallel_loop3A_315 = arith.muli %sub3A_211, %parallel_loop3A_314 : i32
        %parallel_loop3A_316 = arith.addi %parallel_loop3A_315, %parallel_loop3A_261 : i32
        %parallel_loop3A_317 = arith.index_cast %parallel_loop3A_316 : i32 to index
        %parallel_loop3A_318 = arith.constant 64 : index
        %parallel_loop3A_319 = tpu.vector_load %arg8[%parallel_loop3A_317, %parallel_loop3A_318] {strides = array<i32>} : memref<64x128xf32, #tpu.memory_space<vmem>>, vector<1x16xf32>,
        %parallel_loop3A_320 = vector.shape_cast %parallel_loop3A_319 : vector<1x16xf32> to vector<16xf32>
        %parallel_loop3A_321 = arith.index_cast %scan3A_152 : i32 to index
        %parallel_loop3A_322 = arith.index_cast %parallel_loop3A_261 : i32 to index
        %parallel_loop3A_323 = arith.constant 64 : index
        %parallel_loop3A_324 = tpu.vector_load %arg7[%parallel_loop3A_321, %parallel_loop3A_322, %parallel_loop3A_323] {strides = array<i32>} : memref<8x32x128xf32, #tpu.memory_space<vmem>>, vector<1x1x16xf32>,
        %parallel_loop3A_325 = vector.shape_cast %parallel_loop3A_324 : vector<1x1x16xf32> to vector<16xf32>
        %parallel_loop3A_326 = vector.shape_cast %parallel_loop3A_320 : vector<16xf32> to vector<1x1x16xf32>
        tpu.vector_store %arg7[%parallel_loop3A_321, %parallel_loop3A_322, %parallel_loop3A_323], %parallel_loop3A_326 {add = true, strides = array<i32>} : memref<8x32x128xf32, #tpu.memory_space<vmem>>, vector<1x1x16xf32>,
        %parallel_loop3A_327 = arith.constant 32 : i32
        %parallel_loop3A_328 = arith.muli %sub3A_211, %parallel_loop3A_327 : i32
        %parallel_loop3A_329 = arith.addi %parallel_loop3A_328, %parallel_loop3A_261 : i32
        %parallel_loop3A_330 = arith.index_cast %parallel_loop3A_329 : i32 to index
        %parallel_loop3A_331 = arith.constant 80 : index
        %parallel_loop3A_332 = tpu.vector_load %arg8[%parallel_loop3A_330, %parallel_loop3A_331] {strides = array<i32>} : memref<64x128xf32, #tpu.memory_space<vmem>>, vector<1x16xf32>,
        %parallel_loop3A_333 = vector.shape_cast %parallel_loop3A_332 : vector<1x16xf32> to vector<16xf32>
        %parallel_loop3A_334 = arith.index_cast %scan3A_152 : i32 to index
        %parallel_loop3A_335 = arith.index_cast %parallel_loop3A_261 : i32 to index
        %parallel_loop3A_336 = arith.constant 80 : index
        %parallel_loop3A_337 = tpu.vector_load %arg7[%parallel_loop3A_334, %parallel_loop3A_335, %parallel_loop3A_336] {strides = array<i32>} : memref<8x32x128xf32, #tpu.memory_space<vmem>>, vector<1x1x16xf32>,
        %parallel_loop3A_338 = vector.shape_cast %parallel_loop3A_337 : vector<1x1x16xf32> to vector<16xf32>
        %parallel_loop3A_339 = vector.shape_cast %parallel_loop3A_333 : vector<16xf32> to vector<1x1x16xf32>
        tpu.vector_store %arg7[%parallel_loop3A_334, %parallel_loop3A_335, %parallel_loop3A_336], %parallel_loop3A_339 {add = true, strides = array<i32>} : memref<8x32x128xf32, #tpu.memory_space<vmem>>, vector<1x1x16xf32>,
        %parallel_loop3A_340 = arith.constant 32 : i32
        %parallel_loop3A_341 = arith.muli %sub3A_211, %parallel_loop3A_340 : i32
        %parallel_loop3A_342 = arith.addi %parallel_loop3A_341, %parallel_loop3A_261 : i32
        %parallel_loop3A_343 = arith.index_cast %parallel_loop3A_342 : i32 to index
        %parallel_loop3A_344 = arith.constant 96 : index
        %parallel_loop3A_345 = tpu.vector_load %arg8[%parallel_loop3A_343, %parallel_loop3A_344] {strides = array<i32>} : memref<64x128xf32, #tpu.memory_space<vmem>>, vector<1x16xf32>,
        %parallel_loop3A_346 = vector.shape_cast %parallel_loop3A_345 : vector<1x16xf32> to vector<16xf32>
        %parallel_loop3A_347 = arith.index_cast %scan3A_152 : i32 to index
        %parallel_loop3A_348 = arith.index_cast %parallel_loop3A_261 : i32 to index
        %parallel_loop3A_349 = arith.constant 96 : index
        %parallel_loop3A_350 = tpu.vector_load %arg7[%parallel_loop3A_347, %parallel_loop3A_348, %parallel_loop3A_349] {strides = array<i32>} : memref<8x32x128xf32, #tpu.memory_space<vmem>>, vector<1x1x16xf32>,
        %parallel_loop3A_351 = vector.shape_cast %parallel_loop3A_350 : vector<1x1x16xf32> to vector<16xf32>
        %parallel_loop3A_352 = vector.shape_cast %parallel_loop3A_346 : vector<16xf32> to vector<1x1x16xf32>
        tpu.vector_store %arg7[%parallel_loop3A_347, %parallel_loop3A_348, %parallel_loop3A_349], %parallel_loop3A_352 {add = true, strides = array<i32>} : memref<8x32x128xf32, #tpu.memory_space<vmem>>, vector<1x1x16xf32>,
        %parallel_loop3A_353 = arith.constant 32 : i32
        %parallel_loop3A_354 = arith.muli %sub3A_211, %parallel_loop3A_353 : i32
        %parallel_loop3A_355 = arith.addi %parallel_loop3A_354, %parallel_loop3A_261 : i32
        %parallel_loop3A_356 = arith.index_cast %parallel_loop3A_355 : i32 to index
        %parallel_loop3A_357 = arith.constant 112 : index
        %parallel_loop3A_358 = tpu.vector_load %arg8[%parallel_loop3A_356, %parallel_loop3A_357] {strides = array<i32>} : memref<64x128xf32, #tpu.memory_space<vmem>>, vector<1x16xf32>,
        %parallel_loop3A_359 = vector.shape_cast %parallel_loop3A_358 : vector<1x16xf32> to vector<16xf32>
        %parallel_loop3A_360 = arith.index_cast %scan3A_152 : i32 to index
        %parallel_loop3A_361 = arith.index_cast %parallel_loop3A_261 : i32 to index
        %parallel_loop3A_362 = arith.constant 112 : index
        %parallel_loop3A_363 = tpu.vector_load %arg7[%parallel_loop3A_360, %parallel_loop3A_361, %parallel_loop3A_362] {strides = array<i32>} : memref<8x32x128xf32, #tpu.memory_space<vmem>>, vector<1x1x16xf32>,
        %parallel_loop3A_364 = vector.shape_cast %parallel_loop3A_363 : vector<1x1x16xf32> to vector<16xf32>
        %parallel_loop3A_365 = vector.shape_cast %parallel_loop3A_359 : vector<16xf32> to vector<1x1x16xf32>
        tpu.vector_store %arg7[%parallel_loop3A_360, %parallel_loop3A_361, %parallel_loop3A_362], %parallel_loop3A_365 {add = true, strides = array<i32>} : memref<8x32x128xf32, #tpu.memory_space<vmem>>, vector<1x1x16xf32>,
      } {sc.loop_unroll_factor = 4 : i64, sc.parallel_access}
      %jit3A_214 = arith.constant 2 : i32
      %div3A_215 = arith.divsi %scan3A_152, %jit3A_214 : i32
      %sign3A_216 = arith.constant 0 : i32
      %sign3A_217 = arith.cmpi sgt, %scan3A_152, %sign3A_216 : i32
      %sign3A_218 = arith.extui %sign3A_217 : i1 to i32
      %sign3A_219 = arith.constant 0 : i32
      %sign3A_220 = arith.cmpi slt, %scan3A_152, %sign3A_219 : i32
      %sign3A_221 = arith.extui %sign3A_220 : i1 to i32
      %sign3A_222 = arith.subi %sign3A_218, %sign3A_221 : i32
      %sign3A_223 = arith.constant 0 : i32
      %sign3A_224 = arith.cmpi sgt, %jit3A_214, %sign3A_223 : i32
      %sign3A_225 = arith.extui %sign3A_224 : i1 to i32
      %sign3A_226 = arith.constant 0 : i32
      %sign3A_227 = arith.cmpi slt, %jit3A_214, %sign3A_226 : i32
      %sign3A_228 = arith.extui %sign3A_227 : i1 to i32
      %sign3A_229 = arith.subi %sign3A_225, %sign3A_228 : i32
      %ne3A_230 = arith.cmpi ne, %sign3A_222, %sign3A_229 : i32
      %rem3A_231 = arith.remsi %scan3A_152, %jit3A_214 : i32
      %ne3A_232 = arith.constant 0 : i32
      %ne3A_233 = arith.cmpi ne, %rem3A_231, %ne3A_232 : i32
      %and3A_234 = arith.andi %ne3A_230, %ne3A_233 : i1
      %sub3A_235 = arith.constant 1 : i32
      %sub3A_236 = arith.subi %div3A_215, %sub3A_235 : i32
      %select_n3A_237 = arith.select %and3A_234, %sub3A_236, %div3A_215 : i32
      %mul3A_238 = arith.constant 2 : i32
      %mul3A_239 = arith.muli %mul3A_238, %select_n3A_237 : i32
      %sub3A_240 = arith.subi %scan3A_152, %mul3A_239 : i32
      %mul3A_241 = arith.constant 2048 : i32
      %mul3A_242 = arith.muli %select_n3A_237, %mul3A_241 : i32
      %add3A_243 = arith.addi %mul3A_242, %multiple_of3A : i32
      %mul3A_244 = arith.constant 32 : i32
      %mul3A_245 = arith.muli %sub3A_240, %mul3A_244 : i32
      %add3A_246 = arith.addi %add3A_243, %mul3A_245 : i32
      %dma_start3A_247 = arith.constant 0 : i32
      %dma_start3A_248 = arith.constant 0 : i32
      %dma_start3A_249 = tpu.memref_slice %arg7[%scan3A_152, %dma_start3A_247, %dma_start3A_248] : memref<8x32x128xf32, #tpu.memory_space<vmem>> -> memref<1x32x128xf32, #tpu.memory_space<vmem>>
      %dma_start3A_250 = tpu.memref_squeeze %dma_start3A_249 : memref<1x32x128xf32, #tpu.memory_space<vmem>> -> memref<32x128xf32, #tpu.memory_space<vmem>>
      %dma_start3A_251 = arith.constant 0 : i32
      %dma_start3A_252 = tpu.memref_slice %arg5[%add3A_246, %dma_start3A_251] : memref<8192x128xf32, #tpu.memory_space<hbm>> -> memref<32x128xf32, #tpu.memory_space<hbm>>
      %dma_start3A_253 = tpu.memref_slice %arg9[%scan3A_152] : memref<10x!tpu.dma_semaphore, #tpu.memory_space<semaphore_mem>> -> memref<1x!tpu.dma_semaphore, #tpu.memory_space<semaphore_mem>>
      %dma_start3A_254 = tpu.memref_squeeze %dma_start3A_253 : memref<1x!tpu.dma_semaphore, #tpu.memory_space<semaphore_mem>> -> memref<!tpu.dma_semaphore, #tpu.memory_space<semaphore_mem>>
      %dma_start3A_255 = arith.constant 0 : i32
      %dma_start3A_256 = tpu.memref_slice %arg5[%add3A_246, %dma_start3A_255] : memref<8192x128xf32, #tpu.memory_space<hbm>> -> memref<32x128xf32, #tpu.memory_space<hbm>>
      %dma_start3A_257 = arith.constant 0 : i32
      %dma_start3A_258 = arith.constant 0 : i32
      %dma_start3A_259 = tpu.memref_slice %arg7[%scan3A_152, %dma_start3A_257, %dma_start3A_258] : memref<8x32x128xf32, #tpu.memory_space<vmem>> -> memref<1x32x128xf32, #tpu.memory_space<vmem>>
      %dma_start3A_260 = tpu.memref_squeeze %dma_start3A_259 : memref<1x32x128xf32, #tpu.memory_space<vmem>> -> memref<32x128xf32, #tpu.memory_space<vmem>>
      tpu.enqueue_dma source(%dma_start3A_260 : memref<32x128xf32, #tpu.memory_space<vmem>>) target(%dma_start3A_256 : memref<32x128xf32, #tpu.memory_space<hbm>>) target_semaphore(%dma_start3A_254 : memref<!tpu.dma_semaphore, #tpu.memory_space<semaphore_mem>>)
    }
    %scan3A_145 = arith.constant 8 : i32
    %scan3A_146 = arith.constant 0 : i32
    %scan3A_147 = arith.constant 0 : i32
    %scan3A_148 = arith.constant 8 : i32
    %scan3A_149 = arith.addi %scan3A_147, %scan3A_148 : i32
    %scan3A_150 = arith.constant 1 : i32
    scf.for %scan3A_152 = %scan3A_147 to %scan3A_149 step %scan3A_150  : i32 {
      %jit3A = arith.constant 2 : i32
      %div3A = arith.divsi %scan3A_152, %jit3A : i32
      %sign3A = arith.constant 0 : i32
      %sign3A_153 = arith.cmpi sgt, %scan3A_152, %sign3A : i32
      %sign3A_154 = arith.extui %sign3A_153 : i1 to i32
      %sign3A_155 = arith.constant 0 : i32
      %sign3A_156 = arith.cmpi slt, %scan3A_152, %sign3A_155 : i32
      %sign3A_157 = arith.extui %sign3A_156 : i1 to i32
      %sign3A_158 = arith.subi %sign3A_154, %sign3A_157 : i32
      %sign3A_159 = arith.constant 0 : i32
      %sign3A_160 = arith.cmpi sgt, %jit3A, %sign3A_159 : i32
      %sign3A_161 = arith.extui %sign3A_160 : i1 to i32
      %sign3A_162 = arith.constant 0 : i32
      %sign3A_163 = arith.cmpi slt, %jit3A, %sign3A_162 : i32
      %sign3A_164 = arith.extui %sign3A_163 : i1 to i32
      %sign3A_165 = arith.subi %sign3A_161, %sign3A_164 : i32
      %ne3A = arith.cmpi ne, %sign3A_158, %sign3A_165 : i32
      %rem3A = arith.remsi %scan3A_152, %jit3A : i32
      %ne3A_166 = arith.constant 0 : i32
      %ne3A_167 = arith.cmpi ne, %rem3A, %ne3A_166 : i32
      %and3A = arith.andi %ne3A, %ne3A_167 : i1
      %sub3A = arith.constant 1 : i32
      %sub3A_168 = arith.subi %div3A, %sub3A : i32
      %select_n3A = arith.select %and3A, %sub3A_168, %div3A : i32
      %mul3A_169 = arith.constant 2 : i32
      %mul3A_170 = arith.muli %mul3A_169, %select_n3A : i32
      %sub3A_171 = arith.subi %scan3A_152, %mul3A_170 : i32
      %mul3A_172 = arith.constant 2048 : i32
      %mul3A_173 = arith.muli %select_n3A, %mul3A_172 : i32
      %add3A_174 = arith.addi %mul3A_173, %multiple_of3A : i32
      %mul3A_175 = arith.constant 32 : i32
      %mul3A_176 = arith.muli %sub3A_171, %mul3A_175 : i32
      %add3A_177 = arith.addi %add3A_174, %mul3A_176 : i32
      %dma_wait3A_178 = arith.constant 0 : i32
      %dma_wait3A_179 = arith.constant 0 : i32
      %dma_wait3A_180 = tpu.memref_slice %arg7[%scan3A_152, %dma_wait3A_178, %dma_wait3A_179] : memref<8x32x128xf32, #tpu.memory_space<vmem>> -> memref<1x32x128xf32, #tpu.memory_space<vmem>>
      %dma_wait3A_181 = tpu.memref_squeeze %dma_wait3A_180 : memref<1x32x128xf32, #tpu.memory_space<vmem>> -> memref<32x128xf32, #tpu.memory_space<vmem>>
      %dma_wait3A_182 = arith.constant 0 : i32
      %dma_wait3A_183 = tpu.memref_slice %arg5[%add3A_177, %dma_wait3A_182] : memref<8192x128xf32, #tpu.memory_space<hbm>> -> memref<32x128xf32, #tpu.memory_space<hbm>>
      %dma_wait3A_184 = tpu.memref_slice %arg9[%scan3A_152] : memref<10x!tpu.dma_semaphore, #tpu.memory_space<semaphore_mem>> -> memref<1x!tpu.dma_semaphore, #tpu.memory_space<semaphore_mem>>
      %dma_wait3A_185 = tpu.memref_squeeze %dma_wait3A_184 : memref<1x!tpu.dma_semaphore, #tpu.memory_space<semaphore_mem>> -> memref<!tpu.dma_semaphore, #tpu.memory_space<semaphore_mem>>
      %dma_wait3A_186 = arith.constant 0 : i32
      %dma_wait3A_187 = tpu.memref_slice %arg5[%add3A_177, %dma_wait3A_186] : memref<8192x128xf32, #tpu.memory_space<hbm>> -> memref<32x128xf32, #tpu.memory_space<hbm>>
      %dma_wait3A_188 = arith.constant 0 : i32
      %dma_wait3A_189 = arith.constant 0 : i32
      %dma_wait3A_190 = tpu.memref_slice %arg7[%scan3A_152, %dma_wait3A_188, %dma_wait3A_189] : memref<8x32x128xf32, #tpu.memory_space<vmem>> -> memref<1x32x128xf32, #tpu.memory_space<vmem>>
      %dma_wait3A_191 = tpu.memref_squeeze %dma_wait3A_190 : memref<1x32x128xf32, #tpu.memory_space<vmem>> -> memref<32x128xf32, #tpu.memory_space<vmem>>
      tpu.wait_dma2 semaphore(%dma_wait3A_185 : memref<!tpu.dma_semaphore, #tpu.memory_space<semaphore_mem>>) src(%dma_wait3A_191 : memref<32x128xf32, #tpu.memory_space<vmem>>) dst(%dma_wait3A_187 : memref<32x128xf32, #tpu.memory_space<hbm>>)
    }
    %scan3A_151 = arith.constant 8 : i32
    return
  }
}

</mosaic_0001>

<sc_bundles>
// kernel: kernel.3.cloned.1.call-start
scs
__scs_entry_jumppad:
0x0: {  	(pc) =	sbr.rel $0x88, $3  }
0x1: {  	(tag) =	ssettag $0x0;
	lr =	simm.s32 $0x1  }
0x2: {  	[smem:$0x3F9E] =	sst lr;
	_ =	strace $0xD0000000  }
0x3: {  	_ = 	snop  }
0x4: {  	_ = 	snop  }
0x5: {  	_ = 	snop  }
0x6: {  	_ = 	snop  }
0x7: {  	_ = 	snop  }
__scs_overlays_trampoline_lowered:
0x8: {  	[smem:$0x3FAD] =	sst s0  }
0x9: {  	[smem:$0x3FAE] =	sst s1  }
0xa: {  	[smem:$0x3FAF] =	sst s2  }
0xb: {  	[smem:$0x3FB0] =	sst s3  }
0xc: {  	[smem:$0x3FB1] =	sst s4  }
0xd: {  	[smem:$0x3FB2] =	sst s5  }
0xe: {  	[smem:$0x3FB3] =	sst s6  }
0xf: {  	[smem:$0x3FB4] =	sst s7  }
0x10: {  	[smem:$0x3FB5] =	sst s8  }
0x11: {  	[smem:$0x3FB6] =	sst s9;
	s0 =	simm.s32 @!p0 $0x0  }
0x12: {  	s1 =	sld [smem:$0x3F9C];
	s0 =	simm.s32 @p0 $0x1  }
0x13: {  	[smem:$0x3FB7] =	sst s0;
	s0 =	simm.s32 @!p1 $0x0  }
0x14: {  	s2 =	sld [smem:$0x3F9B];
	s0 =	simm.s32 @p1 $0x1  }
0x15: {  	[smem:$0x3FB8] =	sst s0;
	s0 =	simm.s32 @!p2 $0x0  }
0x16: {  	s3 =	sld [smem:$0x3FDB];
	s0 =	simm.s32 @p2 $0x1  }
0x17: {  	s4 =	simm.s32 $0x1BF5;
	[smem:$0x3FBA] =	sst s0  }
0x18: {  	s0 =	sld [smem:$0x3F9D];
	_ =	swait.ge [sflag:s4], $0x0  }
0x19: {  	s7 =	sld [smem:$0x3F9E]  }
0x1a: {  	s8 =	sadd.s32 $0xFFFFE003, lr  }
0x1b: {  	s9 =	sadd.s32 $0xFFFFFEF7, lr;
	s5 =	simm.s32 $0xFFFFFFFF;
	p2 =	slt.u32 s8, $0xFFFFF086  }
0x1c: {  	p1 =	slt.u32 s9, $0xF7A;
	s5 =	simm.s32 @!p2 $0x0  }
0x1d: {  	s5 =	simm.s32 @p1 $0x1;
	p0 =	seq.s32 s7, s2  }
0x1e: {  	s7 =	smul.u32 @!p0 $0xF7A, s2;
	p2 =	seq.s32 @!p0 s5, $0x0  }
0x1f: {  	s9 =	smul.u32 $0xF7A, s1;
	s8 =	simm.s32 @!p0 $0x1BF5;
	p2 =	por !p2, p0  }
0x20: {  	[sflag:s8] =	ssyncset.s32 @!p0 $0xFFFFF086;
	s6 =	sadd.s32 @!p0 s3, s7;
	s7 =	simm.s32 @!p0 $0x108  }
0x21: {  	s3 =	sadd.s32 s3, s9;
	s6 =	sadd.s32 @!p0 $0x88, s6;
	s7 =	simm.s32 @p2 $0x1082  }
0x22: {  	[simem:s7], [sflag:s8] =	dma.local @!p0 [hbm:s6], $0xF7A  }
0x23: {  	s9 =	sor.u32 $0xD0000000, s2;
	s6 =	simm.s32 $0x108;
	_ =	swait.ge @!p0 [sflag:s8], $0x0  }
0x24: {  	s3 =	sadd.s32 $0x88, s3;
	s6 =	simm.s32 @!p1 $0x1082;
	[sflag:s4] =	ssyncset.s32 $0xFFFFF086  }
0x25: {  	[simem:s6], [sflag:s4] =	dma.local [hbm:s3], $0xF7A  }
0x26: {  	[smem:$0x3F9E] =	sst s1;
	(tag) =	ssettag s2;
	_ =	strace s9  }
0x27: {  	s1 =	sld [smem:$0x3FAE]  }
0x28: {  	s2 =	sld [smem:$0x3FAF]  }
0x29: {  	s4 =	sld [smem:$0x3FB1]  }
0x2a: {  	p0 =	seq.s32 s5, $0x0;
	s5 =	sld [smem:$0x3FB2]  }
0x2b: {  	s6 =	sld [smem:$0x3FB3]  }
0x2c: {  	s7 =	sld [smem:$0x3FB4]  }
0x2d: {  	s3 =	simm.s32 $0x108;
	s8 =	sld [smem:$0x3FB5]  }
0x2e: {  	s3 =	simm.s32 @!p0 $0x1082;
	s9 =	sld [smem:$0x3FB6]  }
0x2f: {  	lr =	sadd.s32 s0, s3;
	s0 =	sld [smem:$0x3FAD]  }
0x30: {  	s3 =	sld [smem:$0x3FB0]  }
0x31: {  	[smem:$0x3FB9] =	sst s10  }
0x32: {  	s10 =	sld [smem:$0x3FB7];
	_ =	sdelay $0x3  }
0x33: {  	p0 =	seq.s32 s10, $0x1;
	s10 =	sld [smem:$0x3FB9];
	_ =	sdelay $0x3  }
0x34: {  	[smem:$0x3FB9] =	sst s10  }
0x35: {  	s10 =	sld [smem:$0x3FB8];
	_ =	sdelay $0x3  }
0x36: {  	p1 =	seq.s32 s10, $0x1;
	s10 =	sld [smem:$0x3FB9];
	_ =	sdelay $0x3  }
0x37: {  	[smem:$0x3FB9] =	sst s10  }
0x38: {  	s10 =	sld [smem:$0x3FBA]  }
0x39: {  	_ = 	snop;
	(pc) =	sbr.ind lr, $3  }
0x3a: {  	_ = 	snop  }
0x3b: {  	_ = 	snop  }
0x3c: {  	p2 =	seq.s32 s10, $0x1;
	s10 =	sld [smem:$0x3FB9]  }
0x3d: {  	_ =	shalt  }
0x3e: {  	_ =	shalt  }
0x3f: {  	_ =	shalt  }
0x40: {  	_ =	shalt  }
0x41: {  	_ =	shalt  }
0x42: {  	_ =	shalt  }
0x43: {  	_ =	shalt  }
0x44: {  	_ =	shalt  }
0x45: {  	_ =	shalt  }
0x46: {  	_ =	shalt  }
0x47: {  	_ =	shalt  }
0x48: {  	_ =	shalt  }
0x49: {  	_ =	shalt  }
0x4a: {  	_ =	shalt  }
0x4b: {  	_ =	shalt  }
0x4c: {  	_ =	shalt  }
0x4d: {  	_ =	shalt  }
0x4e: {  	_ =	shalt  }
0x4f: {  	_ =	shalt  }
0x50: {  	_ =	shalt  }
0x51: {  	_ =	shalt  }
0x52: {  	_ =	shalt  }
0x53: {  	_ =	shalt  }
0x54: {  	_ =	shalt  }
0x55: {  	_ =	shalt  }
0x56: {  	_ =	shalt  }
0x57: {  	_ =	shalt  }
0x58: {  	_ =	shalt  }
0x59: {  	_ =	shalt  }
0x5a: {  	_ =	shalt  }
0x5b: {  	_ =	shalt  }
0x5c: {  	_ =	shalt  }
0x5d: {  	_ =	shalt  }
0x5e: {  	_ =	shalt  }
0x5f: {  	_ =	shalt  }
0x60: {  	_ =	shalt  }
0x61: {  	_ =	shalt  }
0x62: {  	_ =	shalt  }
0x63: {  	_ =	shalt  }
0x64: {  	_ =	shalt  }
0x65: {  	_ =	shalt  }
0x66: {  	_ =	shalt  }
0x67: {  	_ =	shalt  }
0x68: {  	_ =	shalt  }
0x69: {  	_ =	shalt  }
0x6a: {  	_ =	shalt  }
0x6b: {  	_ =	shalt  }
0x6c: {  	_ =	shalt  }
0x6d: {  	_ =	shalt  }
0x6e: {  	_ =	shalt  }
0x6f: {  	_ =	shalt  }
0x70: {  	_ =	shalt  }
0x71: {  	_ =	shalt  }
0x72: {  	_ =	shalt  }
0x73: {  	_ =	shalt  }
0x74: {  	_ =	shalt  }
0x75: {  	_ =	shalt  }
0x76: {  	_ =	shalt  }
0x77: {  	_ =	shalt  }
0x78: {  	_ =	shalt  }
0x79: {  	_ =	shalt  }
0x7a: {  	_ =	shalt  }
0x7b: {  	_ =	shalt  }
0x7c: {  	_ =	shalt  }
0x7d: {  	_ =	shalt  }
0x7e: {  	_ =	shalt  }
0x7f: {  	_ =	shalt  }
0x80: {  	_ =	shalt  }
0x81: {  	_ =	shalt  }
0x82: {  	_ =	shalt  }
0x83: {  	_ =	shalt  }
0x84: {  	_ =	shalt  }
0x85: {  	_ =	shalt  }
0x86: {  	_ =	shalt  }
0x87: {  	_ =	shalt  }
.Lfunc_end0:
.L_simem_size_0:
called_computation_lowered:
.L_overlay_start_0:
0x88: {  	s2 =	sld [smem:$0x3FD9]  }
0x89: {  	s3 =	sld [smem:$0x3FFE];
	_ =	sdelay $0x1  }
0x8a: {  	s1 =	srdreg.scid  }
0x8b: {  	s0 =	sand.u32 $0x1, s1  }
0x8c: {  	s18 =	sshll.u32 s0, $0xA;
	s2 =	sadd.s32 s3, s2  }
0x8d: {  	s2 =	sadd.s32 s2, s18  }
0x8e: {  	[smem:$0x3FC5] =	sst s2  }
0x8f: {  	_ = 	snop  }
0x90: {  	s2 =	sld [smem:$0x3FC9]  }
0x91: {  	s19 =	sld [smem:$0x3FC8]  }
0x92: {  	s4 =	sld [smem:$0x3FC7]  }
0x93: {  	s5 =	sld [smem:$0x3FD0];
	(tm) =	ssettm $0x1  }
0x94: {  	s6 =	sld [smem:$0x3FFB];
	_ =	sdelay $0x3  }
0x95: {  	_ =	strace s6  }
0x96: {  	s6 =	sld [smem:$0x3FFC];
	_ =	sdelay $0x3  }
0x97: {  	_ =	strace s6  }
0x98: {  	s6 =	sld [smem:$0x3FFD];
	_ =	sdelay $0x3  }
0x99: {  	_ =	strace s6  }
0x9a: {  	_ =	strace $0x8FFFFFFF  }
0x9b: {  	s20 =	sld [smem:$0x3FDB];
	_ =	sdelay $0x1  }
0x9c: {  	s7 =	simm.s32 $_scs_section_size  }
0x9d: {  	s8 =	simm.s32 $_size__tile_overlayer_lowered;
	s9 =	simm.s32 $_tile_overlayer_lowered  }
0x9e: {  	s23 =	simm.s32 $0x1BFF;
	s22 =	sshll.u32 s9, $0x1;
	s6 =	sadd.s32 s7, s20  }
0x9f: {  	s10 =	simm.s32 $0x0;
	s21 =	sshll.u32 s8, $0x1;
	s8 =	sadd.s32 s22, s6  }
0xa0: {  	[timem:s10], [sflag:s23] =	dma.local [hbm:s8], s21  }
0xa1: {  	_ =	swait.ge [sflag:s23], s21  }
0xa2: {  	s7 =	ssub.s32 $0x0, s21;
	[sflag:s23] =	ssyncset.done $0x0  }
0xa3: {  	[sflag:s23] =	ssyncadd.s32 s7;
	_ =	sdelay $0x1  }
0xa4: {  	s24 =	simm.s32 $0x1B8B  }
0xa5: {  	_ =	swait.ge [sflag:s24], $0x1  }
0xa6: {  	[sflag:s24] =	ssyncset.done $0x0  }
0xa7: {  	s25 =	simm.s32 $0x1B8E;
	[sflag:s24] =	ssyncadd.s32 $0xFFFFFFFF  }
0xa8: {  	s26 =	simm.s32 $execute0_lowered;
	[smem:$0x3FD2] =	sst s25  }
0xa9: {  	s7 =	sshll.u32 s26, $0x1;
	_ =	strace $0x80000046;
	[dreg:$0x1] =	wrdreg $0xFFFFFFFF  }
0xaa: {  	s28 =	simm.s32 $_size_execute0_lowered;
	s6 =	sadd.s32 s6, s7;
	[dreg:$0x0] =	wrdreg $0x0  }
0xab: {  	s7 =	sshll.u32 s28, $0x1;
	[dreg:$0x2] =	wrdreg s6  }
0xac: {  	[dreg:$0x3] =	wrdreg s7  }
0xad: {  	[dreg:$0x4] =	wrdreg $0xC0  }
0xae: {  	_ =	task [dreg:s10], $0x5FFFF  }
0xaf: {  	[dreg:$0x1] =	wrdreg $0xFFFFFFFF  }
0xb0: {  	[dreg:$0x0] =	wrdreg $0x60  }
0xb1: {  	[dreg:$0x2] =	wrdreg s2  }
0xb2: {  	[dreg:$0x3] =	wrdreg s19  }
0xb3: {  	[dreg:$0x4] =	wrdreg s4  }
0xb4: {  	[dreg:$0x5] =	wrdreg s5  }
0xb5: {  	[dreg:$0x6] =	wrdreg $0x9  }
0xb6: {  	_ =	task.clear_ibuf [dreg:s10], $0x7FFFF;
	_ =	strace $0x90000046  }
0xb7: {  	s29 =	simm.s32 $0x9;
	_ =	strace $0x80000048  }
0xb8: {  	_ =	swait.ge [sflag:s29], $0x1  }
0xb9: {  	[sflag:s29] =	ssyncadd.s32 $0xFFFFFFFF  }
0xba: {  	_ =	strace $0x90000048  }
0xbb: {  	_ =	sfence  }
0xbc: {  	s30 =	sld [smem:$0x0];
	_ =	sdelay $0x2  }
0xbd: {  	s31 =	sshll.u32 s1, $0xD;
	s1 =	sshrl.u32 s1, $0x2  }
0xbe: {  	s3 =	sand.u32 $0x4000, s31;
	s1 =	sadd.s32 s1, s30  }
0xbf: {  	s0 =	sor.u32 s3, s0;
	s1 =	sshll.u32 s1, $0x11  }
0xc0: {  	s0 =	sor.u32 s1, s0  }
0xc1: {  	s0 =	sadd.s32 $0x8F2B, s0  }
0xc2: {  	[sflag:s0] =	ssyncadd.remote.s32 $0x1  }
0xc3: {  	_ =	sfence.sel $0xFFFF  }
0xc4: {  	[dreg:$0x0] =	wrdreg $0xFFFFFFFF;
	(pc) =	sbr.abs _section_cstart, $3  }
0xc5: {  	[dreg:$0x1] =	wrdreg $0xFFFFFFFF  }
0xc6: {  	_ =	task.clear_ibuf [dreg:s10], $0x2FFFF;
	_ =	strace $0x9FFFFFFF  }
0xc7: {  	(tm) =	ssettm $0x7FFFFFFF  }
tec
execute0_lowered:
.L_overlay_start_1:
0x0: {  	(tag) =	ssettag $0x1  }
0x1: {  	s2 =	rddreg [dreg:$0x0]  }
0x2: {  	s1 =	rddreg [dreg:$0x1]  }
0x3: {  	s0 =	srdreg.scid;
	s8 =	rddreg [dreg:$0x2]  }
0x4: {  	s3 =	stileid.u32;
	s9 =	rddreg [dreg:$0x3];
	s12 =	simm.s32 $0x100  }
0x5: {  	s13 =	simm.s32 $0x180;
	s15 =	simm.s32 $0x1;
	s16 =	simm.s32 $0x2  }
0x6: {  	s17 =	simm.s32 $0x3;
	s18 =	simm.s32 $0x4;
	s19 =	simm.s32 $0x20  }
0x7: {  	s31 =	simm.s32 $0xA;
	s14 =	simm.s32 $0x7;
	s0 =	sand.u32 $0x1, s0  }
0x8: {  	s20 =	simm.s32 $0x8;
	s3 =	sshll.u32 s3, $0x7;
	s5 =	sshll.u32 s0, $0x6  }
0x9: {  	s21 =	simm.s32 $0x0;
	s0 =	ssub.s32 $0x2, s0;
	s6 =	sor.u32 s5, s3  }
0xa: {  	s3 =	simm.s32 $0x0;
	s10 =	sshrl.u32 s0, $0x1;
	s7 =	sshll.u32 s6, $0x2  }
0xb: {  	[smem:$0x7FF] =	sst s3;
	s0 =	ssub.s32 s0, s10;
	s30 =	sshll.u32 s6, $0x4  }
0xc: {  	s4 =	sand.u32 $0x1E00, s7;
	_ =	strace $0x80000047;
	s8 =	sadd.s32 s8, s30  }
0xd: {  	s9 =	sadd.s32 s9, s30;
	s4 =	sor.u32 s5, s4;
	s5 =	sor.u32 s5, s7  }
0xe: {  	s10 =	smax.u32 s0, $0x1;
	s4 =	sshrl.u32 s4, $0x3;
	s5 =	sshrl.u32 s5, $0x3  }
0xf: {  	s0 =	simm.s32 $0x6;
	s4 =	sadd.s32 s2, s4;
	s29 =	sor.u32 $0x20, s5  }
0x10: {  	s5 =	sor.u32 $0x30, s5;
	s28 =	sadd.s32 $0x10, s4;
	s6 =	sadd.s32 s2, s29  }
0x11: {  	s7 =	sadd.s32 s2, s5;
	s2 =	simm.s32 $0x5;
	[dreg:$0x5] =	wrdreg s28  }
.LBB2_1:
0x12: {  	[tilespmem:s3], [sflag:$0x1] =	stream.linear.gather [hbm4b:s4+s3], $0x40, $0x38;
	[tilespmem:$0xA200] =	vst v63  }
0x13: {  	s5 =	rddreg [dreg:$0x5];
	s11 =	simm.s32 $0x80  }
0x14: {  	[tilespmem:s11], [sflag:$0x2] =	stream.linear.gather [hbm4b:s5+s3], $0x40, $0x38;
	[tilespmem:$0xA200] =	vst v63  }
0x15: {  	_ = 	snop  }
0x16: {  	[tilespmem:s12], [sflag:$0x3] =	stream.linear.gather [hbm4b:s6+s3], $0x40, $0x38;
	[tilespmem:$0xA200] =	vst v63  }
0x17: {  	_ = 	snop  }
0x18: {  	[tilespmem:s13], [sflag:$0x4] =	stream.linear.gather [hbm4b:s7+s3], $0x40, $0x38;
	[tilespmem:$0xA200] =	vst v63  }
0x19: {  	s28 =	simm.s32 $0x8200  }
0x1a: {  	[tilespmem:s28], [sflag:$0xA] =	stream.linear.gather [hbm4b:s8+s3], $0x2000, $0x38;
	[tilespmem:$0xA200] =	vst v63  }
0x1b: {  	_ =	swait.ge [sflag:s15], $0x40  }
0x1c: {  	[sflag:s15] =	ssyncset.done $0x0  }
0x1d: {  	[sflag:s15] =	ssyncadd.s32 $0xFFFFFFC0  }
0x1e: {  	_ =	swait.ge [sflag:s16], $0x40  }
0x1f: {  	[sflag:s16] =	ssyncset.done $0x0  }
0x20: {  	[sflag:s16] =	ssyncadd.s32 $0xFFFFFFC0  }
0x21: {  	_ =	swait.ge [sflag:s17], $0x40  }
0x22: {  	[sflag:s17] =	ssyncset.done $0x0  }
0x23: {  	[sflag:s17] =	ssyncadd.s32 $0xFFFFFFC0  }
0x24: {  	_ =	swait.ge [sflag:s18], $0x40  }
0x25: {  	[sflag:s18] =	ssyncset.done $0x0  }
0x26: {  	s22 =	simm.s32 $0x200;
	[sflag:s18] =	ssyncadd.s32 $0xFFFFFFC0  }
0x27: {  	[tilespmem:s22], [sflag:$0x1] =	stream.indirect.gather [hbm4b:s1+s19], $0x80, s3, s19, $0xb8;
	[tilespmem:$0xA200] =	vst v63  }
0x28: {  	s29 =	simm.s32 $0x1200  }
0x29: {  	[tilespmem:s29], [sflag:$0x2] =	stream.indirect.gather [hbm4b:s1+s19], $0x80, s19, s19, $0xb8;
	[tilespmem:$0xA200] =	vst v63  }
0x2a: {  	s30 =	simm.s32 $0x2200  }
0x2b: {  	[tilespmem:s30], [sflag:$0x3] =	stream.indirect.gather [hbm4b:s1+s19], $0x80, s11, s19, $0xb8;
	[tilespmem:$0xA200] =	vst v63  }
0x2c: {  	s23 =	simm.s32 $0x3200;
	s11 =	simm.s32 $0xA0  }
0x2d: {  	[tilespmem:s23], [sflag:$0x4] =	stream.indirect.gather [hbm4b:s1+s19], $0x80, s11, s19, $0xb8;
	[tilespmem:$0xA200] =	vst v63  }
0x2e: {  	s24 =	simm.s32 $0x4200  }
0x2f: {  	[tilespmem:s24], [sflag:$0x5] =	stream.indirect.gather [hbm4b:s1+s19], $0x80, s12, s19, $0xb8;
	[tilespmem:$0xA200] =	vst v63  }
0x30: {  	s25 =	simm.s32 $0x120;
	s26 =	simm.s32 $0x5200  }
0x31: {  	[tilespmem:s26], [sflag:$0x6] =	stream.indirect.gather [hbm4b:s1+s19], $0x80, s25, s19, $0xb8;
	[tilespmem:$0xA200] =	vst v63  }
0x32: {  	s28 =	simm.s32 $0x6200  }
0x33: {  	[tilespmem:s28], [sflag:$0x7] =	stream.indirect.gather [hbm4b:s1+s19], $0x80, s13, s19, $0xb8;
	[tilespmem:$0xA200] =	vst v63  }
0x34: {  	s29 =	simm.s32 $0x1A0;
	s30 =	simm.s32 $0x7200  }
0x35: {  	[tilespmem:s30], [sflag:$0x8] =	stream.indirect.gather [hbm4b:s1+s19], $0x80, s29, s19, $0xb8;
	[tilespmem:$0xA200] =	vst v63  }
0x36: {  	_ =	swait.ge [sflag:s31], $0x2000  }
0x37: {  	[sflag:s31] =	ssyncset.done $0x0  }
0x38: {  	p0 =	por $0x0, $0x0;
	s23 =	simm.s32 $0x0;
	[sflag:s31] =	ssyncadd.s32 $0xFFFFE000  }
.LBB2_2:
0x39: {  	s5 =	simm.s32 $0x1  }
0x3a: {  	s5 =	simm.s32 @!p0 $0x0  }
0x3b: {  	s5 =	sshll.u32 s5, $0xC  }
0x3c: {  	s11 =	sor.u32 $0x8300, s5  }
0x3d: {  	v0 =	vmov s11  }
0x3e: {  	s5 =	smov.u32 s23;
	s23 =	sadd.s32 $0x1, s23  }
0x3f: {  	_ =	swait.ge [sflag:s23], $0x1000  }
0x40: {  	[sflag:s23] =	ssyncset.done $0x0  }
0x41: {  	s25 =	simm.s32 $0x0;
	[sflag:s23] =	ssyncadd.s32 $0xFFFFF000  }
0x42: {  	v1 =	vld.idx.msk [tilespmem:v0+s25+$0x80 ss:$0x1], $0xffff  }
0x43: {  	v2 =	vld.idx.msk [tilespmem:v0+s25+$0xFFFFFF00 ss:$0x1], $0xffff  }
0x44: {  	v3 =	vld.idx.msk [tilespmem:v0+s25+$0xFFFFFF80 ss:$0x1], $0xffff;
	_ =	sdelay $0x1  }
0x45: {  	s24 =	sadd.s32 $0x0, s22;
	v4 =	vld.idx.msk [tilespmem:v0+s25+$0x0 ss:$0x1], $0xffff  }
0x46: {  	[tilespmem:s24+$0x180] =	vst.add.f32.msk $0xffff, v1  }
0x47: {  	[tilespmem:s24+$0x0] =	vst.add.f32.msk $0xffff, v2  }
0x48: {  	[tilespmem:s24+$0x80] =	vst.add.f32.msk $0xffff, v3  }
0x49: {  	v1 =	vld.idx.msk [tilespmem:v0+s25+$0x90 ss:$0x1], $0xffff  }
0x4a: {  	v2 =	vld.idx.msk [tilespmem:v0+s25+$0xFFFFFF10 ss:$0x1], $0xffff  }
0x4b: {  	v3 =	vld.idx.msk [tilespmem:v0+s25+$0xFFFFFF90 ss:$0x1], $0xffff  }
0x4c: {  	[tilespmem:s24+$0x100] =	vst.add.f32.msk $0xffff, v4  }
0x4d: {  	v4 =	vld.idx.msk [tilespmem:v0+s25+$0x10 ss:$0x1], $0xffff  }
0x4e: {  	[tilespmem:s24+$0x190] =	vst.add.f32.msk $0xffff, v1  }
0x4f: {  	[tilespmem:s24+$0x10] =	vst.add.f32.msk $0xffff, v2  }
0x50: {  	[tilespmem:s24+$0x90] =	vst.add.f32.msk $0xffff, v3  }
0x51: {  	v1 =	vld.idx.msk [tilespmem:v0+s25+$0xA0 ss:$0x1], $0xffff  }
0x52: {  	v2 =	vld.idx.msk [tilespmem:v0+s25+$0xFFFFFF20 ss:$0x1], $0xffff  }
0x53: {  	v3 =	vld.idx.msk [tilespmem:v0+s25+$0xFFFFFFA0 ss:$0x1], $0xffff  }
0x54: {  	[tilespmem:s24+$0x110] =	vst.add.f32.msk $0xffff, v4  }
0x55: {  	v4 =	vld.idx.msk [tilespmem:v0+s25+$0x20 ss:$0x1], $0xffff  }
0x56: {  	[tilespmem:s24+$0x1A0] =	vst.add.f32.msk $0xffff, v1  }
0x57: {  	[tilespmem:s24+$0x20] =	vst.add.f32.msk $0xffff, v2  }
0x58: {  	[tilespmem:s24+$0xA0] =	vst.add.f32.msk $0xffff, v3  }
0x59: {  	v1 =	vld.idx.msk [tilespmem:v0+s25+$0xB0 ss:$0x1], $0xffff  }
0x5a: {  	v2 =	vld.idx.msk [tilespmem:v0+s25+$0xFFFFFF30 ss:$0x1], $0xffff  }
0x5b: {  	v3 =	vld.idx.msk [tilespmem:v0+s25+$0xFFFFFFB0 ss:$0x1], $0xffff  }
0x5c: {  	[tilespmem:s24+$0x120] =	vst.add.f32.msk $0xffff, v4  }
0x5d: {  	v4 =	vld.idx.msk [tilespmem:v0+s25+$0x30 ss:$0x1], $0xffff  }
0x5e: {  	[tilespmem:s24+$0x1B0] =	vst.add.f32.msk $0xffff, v1  }
0x5f: {  	[tilespmem:s24+$0x30] =	vst.add.f32.msk $0xffff, v2  }
0x60: {  	[tilespmem:s24+$0xB0] =	vst.add.f32.msk $0xffff, v3  }
0x61: {  	v1 =	vld.idx.msk [tilespmem:v0+s25+$0xC0 ss:$0x1], $0xffff  }
0x62: {  	v2 =	vld.idx.msk [tilespmem:v0+s25+$0xFFFFFF40 ss:$0x1], $0xffff  }
0x63: {  	v3 =	vld.idx.msk [tilespmem:v0+s25+$0xFFFFFFC0 ss:$0x1], $0xffff  }
0x64: {  	[tilespmem:s24+$0x130] =	vst.add.f32.msk $0xffff, v4  }
0x65: {  	v4 =	vld.idx.msk [tilespmem:v0+s25+$0x40 ss:$0x1], $0xffff  }
0x66: {  	[tilespmem:s24+$0x1C0] =	vst.add.f32.msk $0xffff, v1  }
0x67: {  	[tilespmem:s24+$0x40] =	vst.add.f32.msk $0xffff, v2  }
0x68: {  	[tilespmem:s24+$0xC0] =	vst.add.f32.msk $0xffff, v3  }
0x69: {  	v1 =	vld.idx.msk [tilespmem:v0+s25+$0xD0 ss:$0x1], $0xffff  }
0x6a: {  	v2 =	vld.idx.msk [tilespmem:v0+s25+$0xFFFFFF50 ss:$0x1], $0xffff  }
0x6b: {  	[tilespmem:s24+$0x140] =	vst.add.f32.msk $0xffff, v4  }
0x6c: {  	v3 =	vld.idx.msk [tilespmem:v0+s25+$0xFFFFFFD0 ss:$0x1], $0xffff  }
0x6d: {  	v4 =	vld.idx.msk [tilespmem:v0+s25+$0x50 ss:$0x1], $0xffff  }
0x6e: {  	[tilespmem:s24+$0x1D0] =	vst.add.f32.msk $0xffff, v1  }
0x6f: {  	[tilespmem:s24+$0x50] =	vst.add.f32.msk $0xffff, v2  }
0x70: {  	v1 =	vld.idx.msk [tilespmem:v0+s25+$0xE0 ss:$0x1], $0xffff  }
0x71: {  	[tilespmem:s24+$0xD0] =	vst.add.f32.msk $0xffff, v3  }
0x72: {  	[tilespmem:s24+$0x150] =	vst.add.f32.msk $0xffff, v4  }
0x73: {  	v2 =	vld.idx.msk [tilespmem:v0+s25+$0xFFFFFF60 ss:$0x1], $0xffff  }
0x74: {  	v5 =	vld.idx.msk [tilespmem:v0+s25+$0xFFFFFFE0 ss:$0x1], $0xffff  }
0x75: {  	[tilespmem:s24+$0x1E0] =	vst.add.f32.msk $0xffff, v1  }
0x76: {  	v1 =	vld.idx.msk [tilespmem:v0+s25+$0xF0 ss:$0x1], $0xffff  }
0x77: {  	v3 =	vld.idx.msk [tilespmem:v0+s25+$0x60 ss:$0x1], $0xffff  }
0x78: {  	[tilespmem:s24+$0x60] =	vst.add.f32.msk $0xffff, v2  }
0x79: {  	[tilespmem:s24+$0xE0] =	vst.add.f32.msk $0xffff, v5  }
0x7a: {  	s26 =	sshll.u32 s5, $0xE;
	v2 =	vld.idx.msk [tilespmem:v0+s25+$0xFFFFFF70 ss:$0x1], $0xffff  }
0x7b: {  	s30 =	simm.s32 $0x0;
	s11 =	sshra.s32 s26, $0x2;
	[tilespmem:s24+$0x1F0] =	vst.add.f32.msk $0xffff, v1  }
0x7c: {  	s29 =	sand.u32 $0x1, s5;
	s5 =	simm.s32 $0x800;
	s28 =	sor.u32 $0x200, s11;
	v1 =	vld.idx.msk [tilespmem:v0+s25+$0xFFFFFFF0 ss:$0x1], $0xffff  }
.LBB2_3:
0x7d: {  	s11 =	sshra.s32 s5, $0x2;
	s30 =	sadd.s32 $0x4, s30;
	[tilespmem:s24+$0x160] =	vst.add.f32.msk $0xffff, v3  }
0x7e: {  	v3 =	vld.idx.msk [tilespmem:v0+s11+$0x80 ss:$0x1], $0xffff;
	p1 =	slt.u32 s30, $0x1C  }
0x7f: {  	v4 =	vld.idx.msk [tilespmem:v0+s11+$0xFFFFFF00 ss:$0x1], $0xffff  }
0x80: {  	v5 =	vld.idx.msk [tilespmem:v0+s11+$0xFFFFFF80 ss:$0x1], $0xffff  }
0x81: {  	v6 =	vld.idx.msk [tilespmem:v0+s11+$0x0 ss:$0x1], $0xffff  }
0x82: {  	v7 =	vld.idx.msk [tilespmem:v0+s25+$0x70 ss:$0x1], $0xffff;
	s25 =	smov.u32 s11  }
0x83: {  	s11 =	sadd.s32 s25, s22;
	[tilespmem:s24+$0x70] =	vst.add.f32.msk $0xffff, v2  }
0x84: {  	[tilespmem:s11+$0x180] =	vst.add.f32.msk $0xffff, v3  }
0x85: {  	v2 =	vld.idx.msk [tilespmem:v0+s25+$0x90 ss:$0x1], $0xffff  }
0x86: {  	[tilespmem:s11+$0x0] =	vst.add.f32.msk $0xffff, v4  }
0x87: {  	[tilespmem:s11+$0x80] =	vst.add.f32.msk $0xffff, v5  }
0x88: {  	[tilespmem:s11+$0x100] =	vst.add.f32.msk $0xffff, v6  }
0x89: {  	v3 =	vld.idx.msk [tilespmem:v0+s25+$0xFFFFFF10 ss:$0x1], $0xffff  }
0x8a: {  	v4 =	vld.idx.msk [tilespmem:v0+s25+$0xFFFFFF90 ss:$0x1], $0xffff  }
0x8b: {  	[tilespmem:s11+$0x190] =	vst.add.f32.msk $0xffff, v2  }
0x8c: {  	v2 =	vld.idx.msk [tilespmem:v0+s25+$0xA0 ss:$0x1], $0xffff  }
0x8d: {  	v5 =	vld.idx.msk [tilespmem:v0+s25+$0x10 ss:$0x1], $0xffff  }
0x8e: {  	[tilespmem:s24+$0xF0] =	vst.add.f32.msk $0xffff, v1  }
0x8f: {  	[tilespmem:s11+$0x10] =	vst.add.f32.msk $0xffff, v3  }
0x90: {  	[tilespmem:s11+$0x90] =	vst.add.f32.msk $0xffff, v4  }
0x91: {  	v1 =	vld.idx.msk [tilespmem:v0+s25+$0xFFFFFF20 ss:$0x1], $0xffff  }
0x92: {  	[tilespmem:s11+$0x1A0] =	vst.add.f32.msk $0xffff, v2  }
0x93: {  	v2 =	vld.idx.msk [tilespmem:v0+s25+$0xB0 ss:$0x1], $0xffff  }
0x94: {  	[tilespmem:s11+$0x110] =	vst.add.f32.msk $0xffff, v5  }
0x95: {  	v3 =	vld.idx.msk [tilespmem:v0+s25+$0xFFFFFFA0 ss:$0x1], $0xffff  }
0x96: {  	v4 =	vld.idx.msk [tilespmem:v0+s25+$0x20 ss:$0x1], $0xffff  }
0x97: {  	[tilespmem:s11+$0x20] =	vst.add.f32.msk $0xffff, v1  }
0x98: {  	v1 =	vld.idx.msk [tilespmem:v0+s25+$0xFFFFFF30 ss:$0x1], $0xffff  }
0x99: {  	[tilespmem:s11+$0x1B0] =	vst.add.f32.msk $0xffff, v2  }
0x9a: {  	v2 =	vld.idx.msk [tilespmem:v0+s25+$0xC0 ss:$0x1], $0xffff  }
0x9b: {  	[tilespmem:s11+$0xA0] =	vst.add.f32.msk $0xffff, v3  }
0x9c: {  	[tilespmem:s11+$0x120] =	vst.add.f32.msk $0xffff, v4  }
0x9d: {  	v3 =	vld.idx.msk [tilespmem:v0+s25+$0xFFFFFFB0 ss:$0x1], $0xffff  }
0x9e: {  	v4 =	vld.idx.msk [tilespmem:v0+s25+$0x30 ss:$0x1], $0xffff  }
0x9f: {  	[tilespmem:s11+$0x30] =	vst.add.f32.msk $0xffff, v1  }
0xa0: {  	[tilespmem:s11+$0x1C0] =	vst.add.f32.msk $0xffff, v2  }
0xa1: {  	v1 =	vld.idx.msk [tilespmem:v0+s25+$0xD0 ss:$0x1], $0xffff  }
0xa2: {  	v2 =	vld.idx.msk [tilespmem:v0+s25+$0xFFFFFF40 ss:$0x1], $0xffff  }
0xa3: {  	[tilespmem:s11+$0xB0] =	vst.add.f32.msk $0xffff, v3  }
0xa4: {  	[tilespmem:s11+$0x130] =	vst.add.f32.msk $0xffff, v4  }
0xa5: {  	v3 =	vld.idx.msk [tilespmem:v0+s25+$0xFFFFFFC0 ss:$0x1], $0xffff  }
0xa6: {  	v4 =	vld.idx.msk [tilespmem:v0+s25+$0x40 ss:$0x1], $0xffff  }
0xa7: {  	[tilespmem:s11+$0x1D0] =	vst.add.f32.msk $0xffff, v1  }
0xa8: {  	v1 =	vld.idx.msk [tilespmem:v0+s25+$0xE0 ss:$0x1], $0xffff  }
0xa9: {  	[tilespmem:s11+$0x40] =	vst.add.f32.msk $0xffff, v2  }
0xaa: {  	v2 =	vld.idx.msk [tilespmem:v0+s25+$0xFFFFFF50 ss:$0x1], $0xffff  }
0xab: {  	[tilespmem:s11+$0xC0] =	vst.add.f32.msk $0xffff, v3  }
0xac: {  	[tilespmem:s11+$0x140] =	vst.add.f32.msk $0xffff, v4  }
0xad: {  	v3 =	vld.idx.msk [tilespmem:v0+s25+$0xFFFFFFD0 ss:$0x1], $0xffff  }
0xae: {  	[tilespmem:s11+$0x1E0] =	vst.add.f32.msk $0xffff, v1  }
0xaf: {  	v1 =	vld.idx.msk [tilespmem:v0+s25+$0xF0 ss:$0x1], $0xffff  }
0xb0: {  	v4 =	vld.idx.msk [tilespmem:v0+s25+$0x50 ss:$0x1], $0xffff  }
0xb1: {  	[tilespmem:s11+$0x50] =	vst.add.f32.msk $0xffff, v2  }
0xb2: {  	v2 =	vld.idx.msk [tilespmem:v0+s25+$0xFFFFFF60 ss:$0x1], $0xffff  }
0xb3: {  	[tilespmem:s11+$0xD0] =	vst.add.f32.msk $0xffff, v3  }
0xb4: {  	v5 =	vld.idx.msk [tilespmem:v0+s25+$0xFFFFFFE0 ss:$0x1], $0xffff  }
0xb5: {  	[tilespmem:s11+$0x1F0] =	vst.add.f32.msk $0xffff, v1  }
0xb6: {  	[tilespmem:s11+$0x150] =	vst.add.f32.msk $0xffff, v4  }
0xb7: {  	v3 =	vld.idx.msk [tilespmem:v0+s25+$0x60 ss:$0x1], $0xffff  }
.Ltmp0:
0xb8: {  	[tilespmem:s11+$0x60] =	vst.add.f32.msk $0xffff, v2;
	(pc) =	sbr.rel @p1 .LBB2_3-.Ltmp0, $4  }
0xb9: {  	v2 =	vld.idx.msk [tilespmem:v0+s25+$0xFFFFFF70 ss:$0x1], $0xffff  }
0xba: {  	[tilespmem:s11+$0xE0] =	vst.add.f32.msk $0xffff, v5  }
0xbb: {  	v1 =	vld.idx.msk [tilespmem:v0+s25+$0xFFFFFFF0 ss:$0x1], $0xffff  }
0xbc: {  	s5 =	sadd.s32 $0x800, s5;
	[tilespmem:s24+$0x170] =	vst.add.f32.msk $0xffff, v7;
	s24 =	smov.u32 s11  }
0xbd: {  	_ =	sdelay $0x2  }
0xbe: {  	[tilespmem:s24+$0x160] =	vst.add.f32.msk $0xffff, v3  }
0xbf: {  	v0 =	vld.idx.msk [tilespmem:v0+s25+$0x70 ss:$0x1], $0xffff  }
0xc0: {  	p1 =	sne.s32 s23, $0x8  }
.Ltmp1:
0xc1: {  	_ = 	snop;
	(pc) =	sbr.rel @p1 .LBB2_2-.Ltmp1, $4  }
0xc2: {  	s5 =	sshll.u32 s29, $0x9;
	[tilespmem:s24+$0x70] =	vst.add.f32.msk $0xffff, v2  }
0xc3: {  	s11 =	sand.u32 $0x18000, s26;
	s5 =	sadd.s32 s5, s9;
	[tilespmem:s24+$0xF0] =	vst.add.f32.msk $0xffff, v1  }
0xc4: {  	s22 =	sadd.s32 $0x1000, s22;
	p0 =	por !p0, !p0;
	s5 =	sadd.s32 s11, s5;
	[tilespmem:s24+$0x170] =	vst.add.f32.msk $0xffff, v0  }
0xc5: {  	[hbm4b:s5+s3] =	stream.linear.scatter [tilespmem:s28], [sflag:s23], $0x1000, $0x38;
	[tilespmem:$0xA200] =	vst v63  }
0xc6: {  	_ =	swait.ge [sflag:s15], $0x1000  }
0xc7: {  	[sflag:s15] =	ssyncset.done $0x0  }
0xc8: {  	[sflag:s15] =	ssyncadd.s32 $0xFFFFF000  }
0xc9: {  	_ =	swait.ge [sflag:s16], $0x1000  }
0xca: {  	[sflag:s16] =	ssyncset.done $0x0  }
0xcb: {  	[sflag:s16] =	ssyncadd.s32 $0xFFFFF000  }
0xcc: {  	_ =	swait.ge [sflag:s17], $0x1000  }
0xcd: {  	[sflag:s17] =	ssyncset.done $0x0  }
0xce: {  	[sflag:s17] =	ssyncadd.s32 $0xFFFFF000  }
0xcf: {  	_ =	swait.ge [sflag:s18], $0x1000  }
0xd0: {  	[sflag:s18] =	ssyncset.done $0x0  }
0xd1: {  	[sflag:s18] =	ssyncadd.s32 $0xFFFFF000  }
0xd2: {  	_ =	swait.ge [sflag:s2], $0x1000  }
0xd3: {  	[sflag:s2] =	ssyncset.done $0x0  }
0xd4: {  	[sflag:s2] =	ssyncadd.s32 $0xFFFFF000  }
0xd5: {  	_ =	swait.ge [sflag:s0], $0x1000  }
0xd6: {  	[sflag:s0] =	ssyncset.done $0x0  }
0xd7: {  	s21 =	sadd.s32 $0x1, s21;
	[sflag:s0] =	ssyncadd.s32 $0xFFFFF000  }
0xd8: {  	p0 =	sne.s32 s21, s10;
	_ =	swait.ge [sflag:s14], $0x1000  }
.Ltmp2:
0xd9: {  	[sflag:s14] =	ssyncset.done $0x0;
	(pc) =	sbr.rel @p0 .LBB2_1-.Ltmp2, $4  }
0xda: {  	[sflag:s14] =	ssyncadd.s32 $0xFFFFF000  }
0xdb: {  	_ =	swait.ge [sflag:s20], $0x1000  }
0xdc: {  	[sflag:s20] =	ssyncset.done $0x0  }
0xdd: {  	[sflag:s20] =	ssyncadd.s32 $0xFFFFF000  }
0xde: {  	_ =	sfence.sel $0x180000  }
0xdf: {  	[bflag:$0x0] =	sbarrier.arrive $0xFFFF  }
0xe0: {  	_ =	strace $0x90000047  }
0xe1: {  	s0 =	stileid.u32;
	[bflag:$0x2] =	sbarrier.arrive $0xFFFF  }
0xe2: {  	p0 =	sne.s32 s0, $0x0;
	s0 =	rddreg [dreg:$0x4]  }
0xe3: {  	s0 =	sadd.s32 @!p0 $0x100000, s0  }
0xe4: {  	[sflag:s0] =	ssyncadd.tile.s32 @!p0 $0x1;
	_ =	shalt  }
.Lfunc_end2:
_tile_overlayer_lowered:
.L_overlay_start_2:
0xe5: {  	(tag) =	ssettag $0x2  }
0xe6: {  	s0 =	rddreg [dreg:$0x0];
	s2 =	stileid.u32  }
0xe7: {  	s1 =	rddreg [dreg:$0x1];
	p0 =	sne.s32 s2, $0x0  }
0xe8: {  	s3 =	rddreg [dreg:$0x2];
	[bflag:$0x3] =	sbarrier.arrive $0xFFFF;
	s2 =	simm.s32 @!p0 $0x1C0B  }
0xe9: {  	[timem:s3], [sflag:s2] =	dma.local @!p0 [hbm:s0], s1  }
0xea: {  	s0 =	simm.s32 @!p0 $0xB  }
0xeb: {  	_ =	swait.ge @!p0 [sflag:s0], s1  }
0xec: {  	s1 =	ssub.s32 @!p0 $0x0, s1;
	[sflag:s0] =	ssyncset.done @!p0 $0x0  }
0xed: {  	[sflag:s0] =	ssyncadd.s32 @!p0 s1  }
0xee: {  	[bflag:$0x3] =	sbarrier.arrive $0xFFFF  }
0xef: {  	_ =	shalt  }

</sc_bundles>
